<compile_context>
chip_gen: v7x
topology: tpu7x:2x2x1
jax: 0.10.2.dev20260603
libtpu: 0.0.44.dev20260713+nightly
codegen_flags: <defaults>
</compile_context>

<pallas_src>
import functools

import jax
import jax.numpy as jnp
from jax import lax
from jax.experimental import pallas as pl
from jax.experimental.pallas import tpu as pltpu
from jax.experimental.pallas import tpu_sc as plsc

N = 10000
E = 320000
D = 128

NC = 2
NS = 16
LANES = 16
NW = NC * NS
FPW = D // NW
EPW = E // NW
ECH = 2000
NECH = E // ECH
CPW = EPW // ECH
EGRP = ECH // LANES

_sc_params = pltpu.CompilerParams(
    use_tc_tiling_on_sc=False, needs_layout_passes=False
)

_mesh = plsc.VectorSubcoreMesh(
    core_axis_name="c", subcore_axis_name="s", num_cores=NC, num_subcores=NS
)


def _prep_body(h_ref, w_ref, a_ref, zt_ref, s_ref):
    z = jnp.dot(h_ref[...], w_ref[...], preferred_element_type=jnp.float32)
    zt_ref[...] = jnp.reshape(z.T, (NW, FPW, N))
    a2 = jnp.concatenate([a_ref[0:D, :], a_ref[D:2 * D, :]], axis=1)
    s_ref[...] = jnp.dot(z, a2, preferred_element_type=jnp.float32)


def _tc_prep(h, W, a):
    return pl.pallas_call(
        _prep_body,
        out_shape=[
            jax.ShapeDtypeStruct((NW, FPW, N), jnp.float32),
            jax.ShapeDtypeStruct((N, 2), jnp.float32),
        ],
    )(h, W, a)


@functools.partial(
    pl.kernel,
    out_type=(
        jax.ShapeDtypeStruct((NECH, 2, ECH), jnp.int32),
        jax.ShapeDtypeStruct((NW, 1, N), jnp.float32),
    ),
    mesh=_mesh,
    scratch_types=(
        pltpu.VMEM((ECH,), jnp.int32),
        pltpu.VMEM((ECH,), jnp.int32),
        pltpu.VMEM((2, ECH), jnp.int32),
        pltpu.VMEM((N, 2), jnp.float32),
        pltpu.VMEM((1, N), jnp.float32),
    ),
    compiler_params=_sc_params,
)
def _sc_weights(ei_hbm, s12_hbm, pk_out, den_out,
                src_v, dst_v, pk_v, s12_v, den_v):
    c = lax.axis_index("c")
    s = lax.axis_index("s")
    wid = c * NS + s
    base = wid * EPW

    pltpu.sync_copy(s12_hbm, s12_v)

    zero16 = jnp.zeros((LANES,), jnp.float32)

    @pl.loop(0, N // LANES)
    def _zero_den(i):
        den_v[0, pl.ds(i * LANES, LANES)] = zero16

    col0 = jnp.zeros((LANES,), jnp.int32)
    col1 = jnp.ones((LANES,), jnp.int32)

    for k in range(CPW):
        pltpu.sync_copy(ei_hbm.at[0, pl.ds(base + k * ECH, ECH)], src_v)
        pltpu.sync_copy(ei_hbm.at[1, pl.ds(base + k * ECH, ECH)], dst_v)

        @pl.loop(0, EGRP)
        def _pass1(g):
            sl = pl.ds(g * LANES, LANES)
            si = src_v[sl]
            di = dst_v[sl]
            e = (plsc.load_gather(s12_v, [si, col0])
                 + plsc.load_gather(s12_v, [di, col1]))
            e = jnp.where(e >= 0.0, e, 0.01 * e)
            w = jnp.exp(e)
            pk_v[0, sl] = lax.bitwise_or(si, lax.shift_left(di, 14))
            pk_v[1, sl] = plsc.bitcast(w, jnp.int32)
            plsc.addupdate_scatter(den_v, [col0, di], w)

        pltpu.sync_copy(pk_v, pk_out.at[wid * CPW + k])

    pltpu.sync_copy(den_v, den_out.at[wid])


@functools.partial(
    pl.kernel,
    out_type=jax.ShapeDtypeStruct((NW, FPW, N), jnp.float32),
    mesh=_mesh,
    scratch_types=(
        pltpu.VMEM((FPW, N), jnp.float32),
        pltpu.VMEM((FPW // 2, N), jnp.int32),
        pltpu.VMEM((FPW, N), jnp.float32),
        pltpu.VMEM((2, ECH), jnp.int32),
        pltpu.VMEM((2, ECH), jnp.int32),
        pltpu.SemaphoreType.DMA,
        pltpu.SemaphoreType.DMA,
    ),
    compiler_params=_sc_params,
)
def _sc_scatter(pk_hbm, zt_hbm, acc_out,
                z_t, zp_t, acc_t, ebuf0, ebuf1, sem0, sem1):
    c = lax.axis_index("c")
    s = lax.axis_index("s")
    wid = c * NS + s
    ebuf = (ebuf0, ebuf1)
    sem = (sem0, sem1)

    pltpu.sync_copy(zt_hbm.at[wid], z_t)

    zero16 = jnp.zeros((LANES,), jnp.float32)
    half16 = jnp.full((LANES,), 0x8000, jnp.int32)
    mhi16 = jnp.full((LANES,), -0x10000, jnp.int32)

    @pl.loop(0, N // LANES)
    def _zero_and_pack(i):
        sl = pl.ds(i * LANES, LANES)
        for f in range(FPW):
            acc_t[f, sl] = zero16
        for p in range(FPW // 2):
            lo = plsc.bitcast(z_t[2 * p, sl], jnp.int32)
            hi = plsc.bitcast(z_t[2 * p + 1, sl], jnp.int32)
            lo = lax.shift_right_logical(lo + half16, 16)
            hi = lax.bitwise_and(hi + half16, mhi16)
            zp_t[p, sl] = lax.bitwise_or(hi, lo)

    def issue_load(ch, b):
        pltpu.async_copy(pk_hbm.at[ch], ebuf[b], sem[b])

    def wait_load(ch, b):
        pltpu.make_async_copy(pk_hbm.at[ch], ebuf[b], sem[b]).wait()

    mask14 = jnp.full((LANES,), (1 << 14) - 1, jnp.int32)
    fidx = [jnp.full((LANES,), f, jnp.int32) for f in range(FPW)]
    pidx = [jnp.full((LANES,), p, jnp.int32) for p in range(FPW // 2)]

    def process(b):
        @pl.loop(0, EGRP, unroll=5)
        def _grp(g):
            sl = pl.ds(g * LANES, LANES)
            sd = ebuf[b][0, sl]
            w = plsc.bitcast(ebuf[b][1, sl], jnp.float32)
            src = lax.bitwise_and(sd, mask14)
            dst = lax.shift_right_logical(sd, 14)
            for p in range(FPW // 2):
                pv = plsc.load_gather(zp_t, [pidx[p], src])
                zlo = plsc.bitcast(lax.shift_left(pv, 16), jnp.float32)
                zhi = plsc.bitcast(lax.bitwise_and(pv, mhi16), jnp.float32)
                plsc.addupdate_scatter(acc_t, [fidx[2 * p], dst], zlo * w)
                plsc.addupdate_scatter(acc_t, [fidx[2 * p + 1], dst], zhi * w)

    issue_load(0, 0)
    issue_load(1, 1)

    @pl.loop(0, NECH // 2)
    def _pairs(jj):
        c0 = 2 * jj
        wait_load(c0, 0)
        process(0)

        @pl.when(c0 + 2 < NECH)
        def _pf0():
            issue_load(c0 + 2, 0)

        wait_load(c0 + 1, 1)
        process(1)

        @pl.when(c0 + 3 < NECH)
        def _pf1():
            issue_load(c0 + 3, 1)

    pltpu.sync_copy(acc_t, acc_out.at[wid])


def _fin_body(acc_ref, den_ref, out_ref):
    a = jnp.reshape(acc_ref[...], (D, N))
    den = jnp.reshape(den_ref[...], (NW, N))
    ones = jnp.ones((NW, 1), jnp.float32)
    d = lax.dot_general(den, ones, (((0,), (0,)), ((), ())),
                        preferred_element_type=jnp.float32)
    d = jnp.where(d > 0.0, d, 1.0)
    out_ref[...] = a.T / d


def _tc_fin(acc, den):
    return pl.pallas_call(
        _fin_body,
        out_shape=jax.ShapeDtypeStruct((N, D), jnp.float32),
    )(acc, den)


def kernel(h, edge_index, W, a):
    zt, s12 = _tc_prep(h, W, a)
    pk, den = _sc_weights(edge_index, s12)
    acc = _sc_scatter(pk, zt)
    return _tc_fin(acc, den)

# --- scband reference (transcript-rebuilt; emitter-appended) ---
"""Pipeline reference for scband-gatlayer-9912784519915 (READ-ONLY COPY).

The authoritative reference and input builder live on the scoring server;
editing this copy changes nothing except your own understanding.
"""

import jax, jax.numpy as jnp
import numpy as np

N = 10000
E = 320000
D_IN = 128
D_OUT = 128


def setup_inputs(seed: int = 0) -> dict:
    key = jax.random.key(seed)
    k1, k2, k3, k4 = jax.random.split(key, 4)
    h = jax.random.normal(k1, (N, D_IN), dtype=jnp.float32)
    edge_index = jax.random.randint(k2, (2, E), 0, N, dtype=jnp.int32)
    # learned params: fc (no bias) and attn_fc (no bias, maps 2*out_dim -> 1)
    W = jax.random.normal(k3, (D_IN, D_OUT), dtype=jnp.float32) * (1.0 / np.sqrt(D_IN))
    a = jax.random.normal(k4, (2 * D_OUT, 1), dtype=jnp.float32) * 0.1
    return {"h": h, "edge_index": edge_index, "W": W, "a": a}


def reference(h, edge_index, W, a):
    # z = self.fc(h)
    z = h @ W  # [N, D_OUT]
    src = edge_index[0]
    dst = edge_index[1]
    z_src = jnp.take(z, src, axis=0)  # [E, D_OUT]
    z_dst = jnp.take(z, dst, axis=0)  # [E, D_OUT]
    # edge_attention: e = leaky_relu(attn_fc(cat([z_src, z_dst])))
    z2 = jnp.concatenate([z_src, z_dst], axis=1)  # [E, 2*D_OUT]
    e = jax.nn.leaky_relu(z2 @ a, negative_slope=0.01)[:, 0]  # [E]
    # reduce: softmax of e over incoming edges per destination node
    e_max = jax.ops.segment_max(e, dst, num_segments=N)  # [N]
    e_max = jnp.where(jnp.isfinite(e_max), e_max, 0.0)
    e_exp = jnp.exp(e - jnp.take(e_max, dst, axis=0))  # [E]
    denom = jax.ops.segment_sum(e_exp, dst, num_segments=N)  # [N]
    denom = jnp.where(denom > 0.0, denom, 1.0)
    alpha = e_exp / jnp.take(denom, dst, axis=0)  # [E]
    # h_out = sum_j alpha_ij * z_j
    out = jax.ops.segment_sum(alpha[:, None] * z_src, dst, num_segments=N)  # [N, D_OUT]
    return out

if __name__ == "__main__":
    import jax
    _d = setup_inputs()
    print(jax.jit(kernel)(*tuple(_d.values())))

</pallas_src>

<mosaic_0001>
#map = affine_map<(d0, d1) -> (0, 0, 0)>
module attributes {stable_mosaic.version = 14 : i64} {
  func.func @_sc_scatter(%arg0: i32, %arg1: i32, %arg2: memref<160x2x2000xi32, #tpu.memory_space<hbm>>, %arg3: memref<32x4x10000xf32, #tpu.memory_space<hbm>>, %arg4: memref<32x4x10000xf32, #tpu.memory_space<hbm>>, %arg5: memref<4x10000xf32, #tpu.memory_space<vmem>>, %arg6: memref<2x10000xi32, #tpu.memory_space<vmem>>, %arg7: memref<4x10000xf32, #tpu.memory_space<vmem>>, %arg8: memref<2x2000xi32, #tpu.memory_space<vmem>>, %arg9: memref<2x2000xi32, #tpu.memory_space<vmem>>, %arg10: memref<!tpu.dma_semaphore, #tpu.memory_space<semaphore_mem>>, %arg11: memref<!tpu.dma_semaphore, #tpu.memory_space<semaphore_mem>>) attributes {dimension_semantics = [#tpu.dimension_semantics<core_parallel>, #tpu.dimension_semantics<subcore_parallel>], iteration_bounds = array<i64: 2, 16>, scalar_prefetch = 0 : i64, scratch_operands = 7 : i64, tpu.core_type = #tpu.core_type<sc_vector_subcore>, window_params = [{transform_indices = #map}, {transform_indices = #map}, {transform_indices = #map}]} {
    %mul3A = arith.constant 16 : i32
    %mul3A_0 = arith.muli %arg0, %mul3A : i32
    %add3A = arith.addi %mul3A_0, %arg1 : i32
    "tpu.region"() ({
      %run_scoped3A = tpu.sem_alloc : memref<!tpu.dma_semaphore, #tpu.memory_space<semaphore_mem>>
      %dma_start3A_46 = arith.constant 0 : i32
      %dma_start3A_47 = arith.constant 0 : i32
      %dma_start3A_48 = tpu.memref_slice %arg3[%add3A, %dma_start3A_46, %dma_start3A_47] : memref<32x4x10000xf32, #tpu.memory_space<hbm>> -> memref<1x4x10000xf32, #tpu.memory_space<hbm>>
      %dma_start3A_49 = tpu.memref_squeeze %dma_start3A_48 : memref<1x4x10000xf32, #tpu.memory_space<hbm>> -> memref<4x10000xf32, #tpu.memory_space<hbm>>
      %dma_start3A_50 = arith.constant 0 : i32
      %dma_start3A_51 = arith.constant 0 : i32
      %dma_start3A_52 = tpu.memref_slice %arg3[%add3A, %dma_start3A_50, %dma_start3A_51] : memref<32x4x10000xf32, #tpu.memory_space<hbm>> -> memref<1x4x10000xf32, #tpu.memory_space<hbm>>
      %dma_start3A_53 = tpu.memref_squeeze %dma_start3A_52 : memref<1x4x10000xf32, #tpu.memory_space<hbm>> -> memref<4x10000xf32, #tpu.memory_space<hbm>>
      tpu.enqueue_dma source(%dma_start3A_53 : memref<4x10000xf32, #tpu.memory_space<hbm>>) target(%arg5 : memref<4x10000xf32, #tpu.memory_space<vmem>>) target_semaphore(%run_scoped3A : memref<!tpu.dma_semaphore, #tpu.memory_space<semaphore_mem>>)
      %dma_wait3A = arith.constant 0 : i32
      %dma_wait3A_54 = arith.constant 0 : i32
      %dma_wait3A_55 = tpu.memref_slice %arg3[%add3A, %dma_wait3A, %dma_wait3A_54] : memref<32x4x10000xf32, #tpu.memory_space<hbm>> -> memref<1x4x10000xf32, #tpu.memory_space<hbm>>
      %dma_wait3A_56 = tpu.memref_squeeze %dma_wait3A_55 : memref<1x4x10000xf32, #tpu.memory_space<hbm>> -> memref<4x10000xf32, #tpu.memory_space<hbm>>
      %dma_wait3A_57 = arith.constant 0 : i32
      %dma_wait3A_58 = arith.constant 0 : i32
      %dma_wait3A_59 = tpu.memref_slice %arg3[%add3A, %dma_wait3A_57, %dma_wait3A_58] : memref<32x4x10000xf32, #tpu.memory_space<hbm>> -> memref<1x4x10000xf32, #tpu.memory_space<hbm>>
      %dma_wait3A_60 = tpu.memref_squeeze %dma_wait3A_59 : memref<1x4x10000xf32, #tpu.memory_space<hbm>> -> memref<4x10000xf32, #tpu.memory_space<hbm>>
      tpu.wait_dma2 semaphore(%run_scoped3A : memref<!tpu.dma_semaphore, #tpu.memory_space<semaphore_mem>>) src(%dma_wait3A_60 : memref<4x10000xf32, #tpu.memory_space<hbm>>) dst(%arg5 : memref<4x10000xf32, #tpu.memory_space<vmem>>)
      tpu.yield
    }) : () -> ()
    %broadcast_in_dim3A = arith.constant 0.000000e+00 : f32
    %broadcast_in_dim3A_1 = vector.broadcast %broadcast_in_dim3A : f32 to vector<16xf32>
    %broadcast_in_dim3A_2 = arith.constant 32768 : i32
    %broadcast_in_dim3A_3 = vector.broadcast %broadcast_in_dim3A_2 : i32 to vector<16xi32>
    %broadcast_in_dim3A_4 = arith.constant -65536 : i32
    %broadcast_in_dim3A_5 = vector.broadcast %broadcast_in_dim3A_4 : i32 to vector<16xi32>
    %scan3A = arith.constant 0 : i32
    %scan3A_6 = arith.constant 625 : i32
    %scan3A_7 = arith.addi %scan3A, %scan3A_6 : i32
    %scan3A_8 = arith.constant 1 : i32
    scf.for %scan3A_46 = %scan3A to %scan3A_7 step %scan3A_8  : i32 {
      %mul3A_47 = arith.constant 1 : i32
      %mul3A_48 = arith.muli %scan3A_46, %mul3A_47 : i32
      %add3A_49 = arith.constant 0 : i32
      %add3A_50 = arith.addi %add3A_49, %mul3A_48 : i32
      %mul3A_51 = arith.constant 16 : i32
      %mul3A_52 = arith.muli %add3A_50, %mul3A_51 : i32
      %swap3A = arith.constant 0 : i32
      %swap3A_53 = arith.index_cast %swap3A : i32 to index
      %swap3A_54 = arith.index_cast %mul3A_52 : i32 to index
      %swap3A_55 = tpu.vector_load %arg7[%swap3A_53, %swap3A_54] {strides = array<i32>} : memref<4x10000xf32, #tpu.memory_space<vmem>>, vector<16xf32>,
      tpu.vector_store %arg7[%swap3A_53, %swap3A_54], %broadcast_in_dim3A_1 {strides = array<i32>} : memref<4x10000xf32, #tpu.memory_space<vmem>>, vector<16xf32>,
      %swap3A_56 = arith.constant 1 : i32
      %swap3A_57 = arith.index_cast %swap3A_56 : i32 to index
      %swap3A_58 = arith.index_cast %mul3A_52 : i32 to index
      %swap3A_59 = tpu.vector_load %arg7[%swap3A_57, %swap3A_58] {strides = array<i32>} : memref<4x10000xf32, #tpu.memory_space<vmem>>, vector<16xf32>,
      tpu.vector_store %arg7[%swap3A_57, %swap3A_58], %broadcast_in_dim3A_1 {strides = array<i32>} : memref<4x10000xf32, #tpu.memory_space<vmem>>, vector<16xf32>,
      %swap3A_60 = arith.constant 2 : i32
      %swap3A_61 = arith.index_cast %swap3A_60 : i32 to index
      %swap3A_62 = arith.index_cast %mul3A_52 : i32 to index
      %swap3A_63 = tpu.vector_load %arg7[%swap3A_61, %swap3A_62] {strides = array<i32>} : memref<4x10000xf32, #tpu.memory_space<vmem>>, vector<16xf32>,
      tpu.vector_store %arg7[%swap3A_61, %swap3A_62], %broadcast_in_dim3A_1 {strides = array<i32>} : memref<4x10000xf32, #tpu.memory_space<vmem>>, vector<16xf32>,
      %swap3A_64 = arith.constant 3 : i32
      %swap3A_65 = arith.index_cast %swap3A_64 : i32 to index
      %swap3A_66 = arith.index_cast %mul3A_52 : i32 to index
      %swap3A_67 = tpu.vector_load %arg7[%swap3A_65, %swap3A_66] {strides = array<i32>} : memref<4x10000xf32, #tpu.memory_space<vmem>>, vector<16xf32>,
      tpu.vector_store %arg7[%swap3A_65, %swap3A_66], %broadcast_in_dim3A_1 {strides = array<i32>} : memref<4x10000xf32, #tpu.memory_space<vmem>>, vector<16xf32>,
      %get3A = arith.constant 0 : i32
      %get3A_68 = arith.index_cast %get3A : i32 to index
      %get3A_69 = arith.index_cast %mul3A_52 : i32 to index
      %get3A_70 = tpu.vector_load %arg5[%get3A_68, %get3A_69] {strides = array<i32>} : memref<4x10000xf32, #tpu.memory_space<vmem>>, vector<16xf32>,
      %bitcast3A = vector.bitcast %get3A_70 : vector<16xf32> to vector<16xi32>
      %get3A_71 = arith.constant 1 : i32
      %get3A_72 = arith.index_cast %get3A_71 : i32 to index
      %get3A_73 = arith.index_cast %mul3A_52 : i32 to index
      %get3A_74 = tpu.vector_load %arg5[%get3A_72, %get3A_73] {strides = array<i32>} : memref<4x10000xf32, #tpu.memory_space<vmem>>, vector<16xf32>,
      %bitcast3A_75 = vector.bitcast %get3A_74 : vector<16xf32> to vector<16xi32>
      %add3A_76 = arith.addi %bitcast3A, %broadcast_in_dim3A_3 : vector<16xi32>
      %shift_right_logical3A = arith.constant 16 : i32
      %shift_right_logical3A_77 = vector.broadcast %shift_right_logical3A : i32 to vector<16xi32>
      %shift_right_logical3A_78 = arith.shrui %add3A_76, %shift_right_logical3A_77 : vector<16xi32>
      %add3A_79 = arith.addi %bitcast3A_75, %broadcast_in_dim3A_3 : vector<16xi32>
      %and3A = arith.andi %add3A_79, %broadcast_in_dim3A_5 : vector<16xi32>
      %or3A = arith.ori %and3A, %shift_right_logical3A_78 : vector<16xi32>
      %swap3A_80 = arith.constant 0 : i32
      %swap3A_81 = arith.index_cast %swap3A_80 : i32 to index
      %swap3A_82 = arith.index_cast %mul3A_52 : i32 to index
      %swap3A_83 = tpu.vector_load %arg6[%swap3A_81, %swap3A_82] {strides = array<i32>} : memref<2x10000xi32, #tpu.memory_space<vmem>>, vector<16xi32>,
      tpu.vector_store %arg6[%swap3A_81, %swap3A_82], %or3A {strides = array<i32>} : memref<2x10000xi32, #tpu.memory_space<vmem>>, vector<16xi32>,
      %get3A_84 = arith.constant 2 : i32
      %get3A_85 = arith.index_cast %get3A_84 : i32 to index
      %get3A_86 = arith.index_cast %mul3A_52 : i32 to index
      %get3A_87 = tpu.vector_load %arg5[%get3A_85, %get3A_86] {strides = array<i32>} : memref<4x10000xf32, #tpu.memory_space<vmem>>, vector<16xf32>,
      %bitcast3A_88 = vector.bitcast %get3A_87 : vector<16xf32> to vector<16xi32>
      %get3A_89 = arith.constant 3 : i32
      %get3A_90 = arith.index_cast %get3A_89 : i32 to index
      %get3A_91 = arith.index_cast %mul3A_52 : i32 to index
      %get3A_92 = tpu.vector_load %arg5[%get3A_90, %get3A_91] {strides = array<i32>} : memref<4x10000xf32, #tpu.memory_space<vmem>>, vector<16xf32>,
      %bitcast3A_93 = vector.bitcast %get3A_92 : vector<16xf32> to vector<16xi32>
      %add3A_94 = arith.addi %bitcast3A_88, %broadcast_in_dim3A_3 : vector<16xi32>
      %shift_right_logical3A_95 = arith.constant 16 : i32
      %shift_right_logical3A_96 = vector.broadcast %shift_right_logical3A_95 : i32 to vector<16xi32>
      %shift_right_logical3A_97 = arith.shrui %add3A_94, %shift_right_logical3A_96 : vector<16xi32>
      %add3A_98 = arith.addi %bitcast3A_93, %broadcast_in_dim3A_3 : vector<16xi32>
      %and3A_99 = arith.andi %add3A_98, %broadcast_in_dim3A_5 : vector<16xi32>
      %or3A_100 = arith.ori %and3A_99, %shift_right_logical3A_97 : vector<16xi32>
      %swap3A_101 = arith.constant 1 : i32
      %swap3A_102 = arith.index_cast %swap3A_101 : i32 to index
      %swap3A_103 = arith.index_cast %mul3A_52 : i32 to index
      %swap3A_104 = tpu.vector_load %arg6[%swap3A_102, %swap3A_103] {strides = array<i32>} : memref<2x10000xi32, #tpu.memory_space<vmem>>, vector<16xi32>,
      tpu.vector_store %arg6[%swap3A_102, %swap3A_103], %or3A_100 {strides = array<i32>} : memref<2x10000xi32, #tpu.memory_space<vmem>>, vector<16xi32>,
    }
    %scan3A_9 = arith.constant 625 : i32
    %broadcast_in_dim3A_10 = arith.constant 16383 : i32
    %broadcast_in_dim3A_11 = vector.broadcast %broadcast_in_dim3A_10 : i32 to vector<16xi32>
    %broadcast_in_dim3A_12 = arith.constant 0 : i32
    %broadcast_in_dim3A_13 = vector.broadcast %broadcast_in_dim3A_12 : i32 to vector<16xi32>
    %broadcast_in_dim3A_14 = arith.constant 1 : i32
    %broadcast_in_dim3A_15 = vector.broadcast %broadcast_in_dim3A_14 : i32 to vector<16xi32>
    %broadcast_in_dim3A_16 = arith.constant 2 : i32
    %broadcast_in_dim3A_17 = vector.broadcast %broadcast_in_dim3A_16 : i32 to vector<16xi32>
    %broadcast_in_dim3A_18 = arith.constant 3 : i32
    %broadcast_in_dim3A_19 = vector.broadcast %broadcast_in_dim3A_18 : i32 to vector<16xi32>
    %broadcast_in_dim3A_20 = arith.constant 0 : i32
    %broadcast_in_dim3A_21 = vector.broadcast %broadcast_in_dim3A_20 : i32 to vector<16xi32>
    %broadcast_in_dim3A_22 = arith.constant 1 : i32
    %broadcast_in_dim3A_23 = vector.broadcast %broadcast_in_dim3A_22 : i32 to vector<16xi32>
    %dma_start3A = arith.constant 0 : i32
    %dma_start3A_24 = arith.constant 0 : i32
    %dma_start3A_25 = arith.constant 0 : i32
    %dma_start3A_26 = tpu.memref_slice %arg2[%dma_start3A, %dma_start3A_24, %dma_start3A_25] : memref<160x2x2000xi32, #tpu.memory_space<hbm>> -> memref<1x2x2000xi32, #tpu.memory_space<hbm>>
    %dma_start3A_27 = tpu.memref_squeeze %dma_start3A_26 : memref<1x2x2000xi32, #tpu.memory_space<hbm>> -> memref<2x2000xi32, #tpu.memory_space<hbm>>
    %dma_start3A_28 = arith.constant 0 : i32
    %dma_start3A_29 = arith.constant 0 : i32
    %dma_start3A_30 = tpu.memref_slice %arg2[%dma_start3A, %dma_start3A_28, %dma_start3A_29] : memref<160x2x2000xi32, #tpu.memory_space<hbm>> -> memref<1x2x2000xi32, #tpu.memory_space<hbm>>
    %dma_start3A_31 = tpu.memref_squeeze %dma_start3A_30 : memref<1x2x2000xi32, #tpu.memory_space<hbm>> -> memref<2x2000xi32, #tpu.memory_space<hbm>>
    tpu.enqueue_dma source(%dma_start3A_31 : memref<2x2000xi32, #tpu.memory_space<hbm>>) target(%arg8 : memref<2x2000xi32, #tpu.memory_space<vmem>>) target_semaphore(%arg10 : memref<!tpu.dma_semaphore, #tpu.memory_space<semaphore_mem>>)
    %dma_start3A_32 = arith.constant 1 : i32
    %dma_start3A_33 = arith.constant 0 : i32
    %dma_start3A_34 = arith.constant 0 : i32
    %dma_start3A_35 = tpu.memref_slice %arg2[%dma_start3A_32, %dma_start3A_33, %dma_start3A_34] : memref<160x2x2000xi32, #tpu.memory_space<hbm>> -> memref<1x2x2000xi32, #tpu.memory_space<hbm>>
    %dma_start3A_36 = tpu.memref_squeeze %dma_start3A_35 : memref<1x2x2000xi32, #tpu.memory_space<hbm>> -> memref<2x2000xi32, #tpu.memory_space<hbm>>
    %dma_start3A_37 = arith.constant 0 : i32
    %dma_start3A_38 = arith.constant 0 : i32
    %dma_start3A_39 = tpu.memref_slice %arg2[%dma_start3A_32, %dma_start3A_37, %dma_start3A_38] : memref<160x2x2000xi32, #tpu.memory_space<hbm>> -> memref<1x2x2000xi32, #tpu.memory_space<hbm>>
    %dma_start3A_40 = tpu.memref_squeeze %dma_start3A_39 : memref<1x2x2000xi32, #tpu.memory_space<hbm>> -> memref<2x2000xi32, #tpu.memory_space<hbm>>
    tpu.enqueue_dma source(%dma_start3A_40 : memref<2x2000xi32, #tpu.memory_space<hbm>>) target(%arg9 : memref<2x2000xi32, #tpu.memory_space<vmem>>) target_semaphore(%arg11 : memref<!tpu.dma_semaphore, #tpu.memory_space<semaphore_mem>>)
    %scan3A_41 = arith.constant 0 : i32
    %scan3A_42 = arith.constant 80 : i32
    %scan3A_43 = arith.addi %scan3A_41, %scan3A_42 : i32
    %scan3A_44 = arith.constant 1 : i32
    scf.for %scan3A_46 = %scan3A_41 to %scan3A_43 step %scan3A_44  : i32 {
      %mul3A_47 = arith.constant 1 : i32
      %mul3A_48 = arith.muli %scan3A_46, %mul3A_47 : i32
      %add3A_49 = arith.constant 0 : i32
      %add3A_50 = arith.addi %add3A_49, %mul3A_48 : i32
      %mul3A_51 = arith.constant 2 : i32
      %mul3A_52 = arith.muli %mul3A_51, %add3A_50 : i32
      %dma_wait3A = arith.constant 0 : i32
      %dma_wait3A_53 = arith.constant 0 : i32
      %dma_wait3A_54 = tpu.memref_slice %arg2[%mul3A_52, %dma_wait3A, %dma_wait3A_53] : memref<160x2x2000xi32, #tpu.memory_space<hbm>> -> memref<1x2x2000xi32, #tpu.memory_space<hbm>>
      %dma_wait3A_55 = tpu.memref_squeeze %dma_wait3A_54 : memref<1x2x2000xi32, #tpu.memory_space<hbm>> -> memref<2x2000xi32, #tpu.memory_space<hbm>>
      %dma_wait3A_56 = arith.constant 0 : i32
      %dma_wait3A_57 = arith.constant 0 : i32
      %dma_wait3A_58 = tpu.memref_slice %arg2[%mul3A_52, %dma_wait3A_56, %dma_wait3A_57] : memref<160x2x2000xi32, #tpu.memory_space<hbm>> -> memref<1x2x2000xi32, #tpu.memory_space<hbm>>
      %dma_wait3A_59 = tpu.memref_squeeze %dma_wait3A_58 : memref<1x2x2000xi32, #tpu.memory_space<hbm>> -> memref<2x2000xi32, #tpu.memory_space<hbm>>
      tpu.wait_dma2 semaphore(%arg10 : memref<!tpu.dma_semaphore, #tpu.memory_space<semaphore_mem>>) src(%dma_wait3A_59 : memref<2x2000xi32, #tpu.memory_space<hbm>>) dst(%arg8 : memref<2x2000xi32, #tpu.memory_space<vmem>>)
      %scan3A_60 = arith.constant 0 : i32
      %scan3A_61 = arith.constant 125 : i32
      %scan3A_62 = arith.addi %scan3A_60, %scan3A_61 : i32
      %scan3A_63 = arith.constant 5 : i32
      scf.for %scan3A_91 = %scan3A_60 to %scan3A_62 step %scan3A_63  : i32 {
        %mul3A_92 = arith.constant 1 : i32
        %mul3A_93 = arith.muli %scan3A_91, %mul3A_92 : i32
        %add3A_94 = arith.constant 0 : i32
        %add3A_95 = arith.addi %add3A_94, %mul3A_93 : i32
        %mul3A_96 = arith.constant 16 : i32
        %mul3A_97 = arith.muli %add3A_95, %mul3A_96 : i32
        %get3A = arith.constant 0 : i32
        %get3A_98 = arith.index_cast %get3A : i32 to index
        %get3A_99 = arith.index_cast %mul3A_97 : i32 to index
        %get3A_100 = tpu.vector_load %arg8[%get3A_98, %get3A_99] {strides = array<i32>} : memref<2x2000xi32, #tpu.memory_space<vmem>>, vector<16xi32>,
        %get3A_101 = arith.constant 1 : i32
        %get3A_102 = arith.index_cast %get3A_101 : i32 to index
        %get3A_103 = arith.index_cast %mul3A_97 : i32 to index
        %get3A_104 = tpu.vector_load %arg8[%get3A_102, %get3A_103] {strides = array<i32>} : memref<2x2000xi32, #tpu.memory_space<vmem>>, vector<16xi32>,
        %bitcast3A = vector.bitcast %get3A_104 : vector<16xi32> to vector<16xf32>
        %and3A = arith.andi %get3A_100, %broadcast_in_dim3A_11 : vector<16xi32>
        %shift_right_logical3A = arith.constant 14 : i32
        %shift_right_logical3A_105 = vector.broadcast %shift_right_logical3A : i32 to vector<16xi32>
        %shift_right_logical3A_106 = arith.shrui %get3A_100, %shift_right_logical3A_105 : vector<16xi32>
        %gather3A = tpu.vector_load_idx %arg6[%broadcast_in_dim3A_21, %and3A] : memref<2x10000xi32, #tpu.memory_space<vmem>>[vector<16xi32>, vector<16xi32>], vector<16xi32>,
        %shift_left3A = arith.constant 16 : i32
        %shift_left3A_107 = vector.broadcast %shift_left3A : i32 to vector<16xi32>
        %shift_left3A_108 = arith.shli %gather3A, %shift_left3A_107 : vector<16xi32>
        %bitcast3A_109 = vector.bitcast %shift_left3A_108 : vector<16xi32> to vector<16xf32>
        %and3A_110 = arith.andi %gather3A, %broadcast_in_dim3A_5 : vector<16xi32>
        %bitcast3A_111 = vector.bitcast %and3A_110 : vector<16xi32> to vector<16xf32>
        %mul3A_112 = arith.mulf %bitcast3A_109, %bitcast3A : vector<16xf32>
        tpu.vector_store_idx %arg7[%broadcast_in_dim3A_13, %shift_right_logical3A_106], %mul3A_112 {add = true} : memref<4x10000xf32, #tpu.memory_space<vmem>>[vector<16xi32>, vector<16xi32>], vector<16xf32>,
        %mul3A_113 = arith.mulf %bitcast3A_111, %bitcast3A : vector<16xf32>
        tpu.vector_store_idx %arg7[%broadcast_in_dim3A_15, %shift_right_logical3A_106], %mul3A_113 {add = true} : memref<4x10000xf32, #tpu.memory_space<vmem>>[vector<16xi32>, vector<16xi32>], vector<16xf32>,
        %gather3A_114 = tpu.vector_load_idx %arg6[%broadcast_in_dim3A_23, %and3A] : memref<2x10000xi32, #tpu.memory_space<vmem>>[vector<16xi32>, vector<16xi32>], vector<16xi32>,
        %shift_left3A_115 = arith.constant 16 : i32
        %shift_left3A_116 = vector.broadcast %shift_left3A_115 : i32 to vector<16xi32>
        %shift_left3A_117 = arith.shli %gather3A_114, %shift_left3A_116 : vector<16xi32>
        %bitcast3A_118 = vector.bitcast %shift_left3A_117 : vector<16xi32> to vector<16xf32>
        %and3A_119 = arith.andi %gather3A_114, %broadcast_in_dim3A_5 : vector<16xi32>
        %bitcast3A_120 = vector.bitcast %and3A_119 : vector<16xi32> to vector<16xf32>
        %mul3A_121 = arith.mulf %bitcast3A_118, %bitcast3A : vector<16xf32>
        tpu.vector_store_idx %arg7[%broadcast_in_dim3A_17, %shift_right_logical3A_106], %mul3A_121 {add = true} : memref<4x10000xf32, #tpu.memory_space<vmem>>[vector<16xi32>, vector<16xi32>], vector<16xf32>,
        %mul3A_122 = arith.mulf %bitcast3A_120, %bitcast3A : vector<16xf32>
        tpu.vector_store_idx %arg7[%broadcast_in_dim3A_19, %shift_right_logical3A_106], %mul3A_122 {add = true} : memref<4x10000xf32, #tpu.memory_space<vmem>>[vector<16xi32>, vector<16xi32>], vector<16xf32>,
        %scan3A_123 = arith.constant 1 : i32
        %scan3A_124 = arith.addi %scan3A_91, %scan3A_123 : i32
        %mul3A_125 = arith.constant 1 : i32
        %mul3A_126 = arith.muli %scan3A_124, %mul3A_125 : i32
        %add3A_127 = arith.constant 0 : i32
        %add3A_128 = arith.addi %add3A_127, %mul3A_126 : i32
        %mul3A_129 = arith.constant 16 : i32
        %mul3A_130 = arith.muli %add3A_128, %mul3A_129 : i32
        %get3A_131 = arith.constant 0 : i32
        %get3A_132 = arith.index_cast %get3A_131 : i32 to index
        %get3A_133 = arith.index_cast %mul3A_130 : i32 to index
        %get3A_134 = tpu.vector_load %arg8[%get3A_132, %get3A_133] {strides = array<i32>} : memref<2x2000xi32, #tpu.memory_space<vmem>>, vector<16xi32>,
        %get3A_135 = arith.constant 1 : i32
        %get3A_136 = arith.index_cast %get3A_135 : i32 to index
        %get3A_137 = arith.index_cast %mul3A_130 : i32 to index
        %get3A_138 = tpu.vector_load %arg8[%get3A_136, %get3A_137] {strides = array<i32>} : memref<2x2000xi32, #tpu.memory_space<vmem>>, vector<16xi32>,
        %bitcast3A_139 = vector.bitcast %get3A_138 : vector<16xi32> to vector<16xf32>
        %and3A_140 = arith.andi %get3A_134, %broadcast_in_dim3A_11 : vector<16xi32>
        %shift_right_logical3A_141 = arith.constant 14 : i32
        %shift_right_logical3A_142 = vector.broadcast %shift_right_logical3A_141 : i32 to vector<16xi32>
        %shift_right_logical3A_143 = arith.shrui %get3A_134, %shift_right_logical3A_142 : vector<16xi32>
        %gather3A_144 = tpu.vector_load_idx %arg6[%broadcast_in_dim3A_21, %and3A_140] : memref<2x10000xi32, #tpu.memory_space<vmem>>[vector<16xi32>, vector<16xi32>], vector<16xi32>,
        %shift_left3A_145 = arith.constant 16 : i32
        %shift_left3A_146 = vector.broadcast %shift_left3A_145 : i32 to vector<16xi32>
        %shift_left3A_147 = arith.shli %gather3A_144, %shift_left3A_146 : vector<16xi32>
        %bitcast3A_148 = vector.bitcast %shift_left3A_147 : vector<16xi32> to vector<16xf32>
        %and3A_149 = arith.andi %gather3A_144, %broadcast_in_dim3A_5 : vector<16xi32>
        %bitcast3A_150 = vector.bitcast %and3A_149 : vector<16xi32> to vector<16xf32>
        %mul3A_151 = arith.mulf %bitcast3A_148, %bitcast3A_139 : vector<16xf32>
        tpu.vector_store_idx %arg7[%broadcast_in_dim3A_13, %shift_right_logical3A_143], %mul3A_151 {add = true} : memref<4x10000xf32, #tpu.memory_space<vmem>>[vector<16xi32>, vector<16xi32>], vector<16xf32>,
        %mul3A_152 = arith.mulf %bitcast3A_150, %bitcast3A_139 : vector<16xf32>
        tpu.vector_store_idx %arg7[%broadcast_in_dim3A_15, %shift_right_logical3A_143], %mul3A_152 {add = true} : memref<4x10000xf32, #tpu.memory_space<vmem>>[vector<16xi32>, vector<16xi32>], vector<16xf32>,
        %gather3A_153 = tpu.vector_load_idx %arg6[%broadcast_in_dim3A_23, %and3A_140] : memref<2x10000xi32, #tpu.memory_space<vmem>>[vector<16xi32>, vector<16xi32>], vector<16xi32>,
        %shift_left3A_154 = arith.constant 16 : i32
        %shift_left3A_155 = vector.broadcast %shift_left3A_154 : i32 to vector<16xi32>
        %shift_left3A_156 = arith.shli %gather3A_153, %shift_left3A_155 : vector<16xi32>
        %bitcast3A_157 = vector.bitcast %shift_left3A_156 : vector<16xi32> to vector<16xf32>
        %and3A_158 = arith.andi %gather3A_153, %broadcast_in_dim3A_5 : vector<16xi32>
        %bitcast3A_159 = vector.bitcast %and3A_158 : vector<16xi32> to vector<16xf32>
        %mul3A_160 = arith.mulf %bitcast3A_157, %bitcast3A_139 : vector<16xf32>
        tpu.vector_store_idx %arg7[%broadcast_in_dim3A_17, %shift_right_logical3A_143], %mul3A_160 {add = true} : memref<4x10000xf32, #tpu.memory_space<vmem>>[vector<16xi32>, vector<16xi32>], vector<16xf32>,
        %mul3A_161 = arith.mulf %bitcast3A_159, %bitcast3A_139 : vector<16xf32>
        tpu.vector_store_idx %arg7[%broadcast_in_dim3A_19, %shift_right_logical3A_143], %mul3A_161 {add = true} : memref<4x10000xf32, #tpu.memory_space<vmem>>[vector<16xi32>, vector<16xi32>], vector<16xf32>,
        %scan3A_162 = arith.constant 2 : i32
        %scan3A_163 = arith.addi %scan3A_91, %scan3A_162 : i32
        %mul3A_164 = arith.constant 1 : i32
        %mul3A_165 = arith.muli %scan3A_163, %mul3A_164 : i32
        %add3A_166 = arith.constant 0 : i32
        %add3A_167 = arith.addi %add3A_166, %mul3A_165 : i32
        %mul3A_168 = arith.constant 16 : i32
        %mul3A_169 = arith.muli %add3A_167, %mul3A_168 : i32
        %get3A_170 = arith.constant 0 : i32
        %get3A_171 = arith.index_cast %get3A_170 : i32 to index
        %get3A_172 = arith.index_cast %mul3A_169 : i32 to index
        %get3A_173 = tpu.vector_load %arg8[%get3A_171, %get3A_172] {strides = array<i32>} : memref<2x2000xi32, #tpu.memory_space<vmem>>, vector<16xi32>,
        %get3A_174 = arith.constant 1 : i32
        %get3A_175 = arith.index_cast %get3A_174 : i32 to index
        %get3A_176 = arith.index_cast %mul3A_169 : i32 to index
        %get3A_177 = tpu.vector_load %arg8[%get3A_175, %get3A_176] {strides = array<i32>} : memref<2x2000xi32, #tpu.memory_space<vmem>>, vector<16xi32>,
        %bitcast3A_178 = vector.bitcast %get3A_177 : vector<16xi32> to vector<16xf32>
        %and3A_179 = arith.andi %get3A_173, %broadcast_in_dim3A_11 : vector<16xi32>
        %shift_right_logical3A_180 = arith.constant 14 : i32
        %shift_right_logical3A_181 = vector.broadcast %shift_right_logical3A_180 : i32 to vector<16xi32>
        %shift_right_logical3A_182 = arith.shrui %get3A_173, %shift_right_logical3A_181 : vector<16xi32>
        %gather3A_183 = tpu.vector_load_idx %arg6[%broadcast_in_dim3A_21, %and3A_179] : memref<2x10000xi32, #tpu.memory_space<vmem>>[vector<16xi32>, vector<16xi32>], vector<16xi32>,
        %shift_left3A_184 = arith.constant 16 : i32
        %shift_left3A_185 = vector.broadcast %shift_left3A_184 : i32 to vector<16xi32>
        %shift_left3A_186 = arith.shli %gather3A_183, %shift_left3A_185 : vector<16xi32>
        %bitcast3A_187 = vector.bitcast %shift_left3A_186 : vector<16xi32> to vector<16xf32>
        %and3A_188 = arith.andi %gather3A_183, %broadcast_in_dim3A_5 : vector<16xi32>
        %bitcast3A_189 = vector.bitcast %and3A_188 : vector<16xi32> to vector<16xf32>
        %mul3A_190 = arith.mulf %bitcast3A_187, %bitcast3A_178 : vector<16xf32>
        tpu.vector_store_idx %arg7[%broadcast_in_dim3A_13, %shift_right_logical3A_182], %mul3A_190 {add = true} : memref<4x10000xf32, #tpu.memory_space<vmem>>[vector<16xi32>, vector<16xi32>], vector<16xf32>,
        %mul3A_191 = arith.mulf %bitcast3A_189, %bitcast3A_178 : vector<16xf32>
        tpu.vector_store_idx %arg7[%broadcast_in_dim3A_15, %shift_right_logical3A_182], %mul3A_191 {add = true} : memref<4x10000xf32, #tpu.memory_space<vmem>>[vector<16xi32>, vector<16xi32>], vector<16xf32>,
        %gather3A_192 = tpu.vector_load_idx %arg6[%broadcast_in_dim3A_23, %and3A_179] : memref<2x10000xi32, #tpu.memory_space<vmem>>[vector<16xi32>, vector<16xi32>], vector<16xi32>,
        %shift_left3A_193 = arith.constant 16 : i32
        %shift_left3A_194 = vector.broadcast %shift_left3A_193 : i32 to vector<16xi32>
        %shift_left3A_195 = arith.shli %gather3A_192, %shift_left3A_194 : vector<16xi32>
        %bitcast3A_196 = vector.bitcast %shift_left3A_195 : vector<16xi32> to vector<16xf32>
        %and3A_197 = arith.andi %gather3A_192, %broadcast_in_dim3A_5 : vector<16xi32>
        %bitcast3A_198 = vector.bitcast %and3A_197 : vector<16xi32> to vector<16xf32>
        %mul3A_199 = arith.mulf %bitcast3A_196, %bitcast3A_178 : vector<16xf32>
        tpu.vector_store_idx %arg7[%broadcast_in_dim3A_17, %shift_right_logical3A_182], %mul3A_199 {add = true} : memref<4x10000xf32, #tpu.memory_space<vmem>>[vector<16xi32>, vector<16xi32>], vector<16xf32>,
        %mul3A_200 = arith.mulf %bitcast3A_198, %bitcast3A_178 : vector<16xf32>
        tpu.vector_store_idx %arg7[%broadcast_in_dim3A_19, %shift_right_logical3A_182], %mul3A_200 {add = true} : memref<4x10000xf32, #tpu.memory_space<vmem>>[vector<16xi32>, vector<16xi32>], vector<16xf32>,
        %scan3A_201 = arith.constant 3 : i32
        %scan3A_202 = arith.addi %scan3A_91, %scan3A_201 : i32
        %mul3A_203 = arith.constant 1 : i32
        %mul3A_204 = arith.muli %scan3A_202, %mul3A_203 : i32
        %add3A_205 = arith.constant 0 : i32
        %add3A_206 = arith.addi %add3A_205, %mul3A_204 : i32
        %mul3A_207 = arith.constant 16 : i32
        %mul3A_208 = arith.muli %add3A_206, %mul3A_207 : i32
        %get3A_209 = arith.constant 0 : i32
        %get3A_210 = arith.index_cast %get3A_209 : i32 to index
        %get3A_211 = arith.index_cast %mul3A_208 : i32 to index
        %get3A_212 = tpu.vector_load %arg8[%get3A_210, %get3A_211] {strides = array<i32>} : memref<2x2000xi32, #tpu.memory_space<vmem>>, vector<16xi32>,
        %get3A_213 = arith.constant 1 : i32
        %get3A_214 = arith.index_cast %get3A_213 : i32 to index
        %get3A_215 = arith.index_cast %mul3A_208 : i32 to index
        %get3A_216 = tpu.vector_load %arg8[%get3A_214, %get3A_215] {strides = array<i32>} : memref<2x2000xi32, #tpu.memory_space<vmem>>, vector<16xi32>,
        %bitcast3A_217 = vector.bitcast %get3A_216 : vector<16xi32> to vector<16xf32>
        %and3A_218 = arith.andi %get3A_212, %broadcast_in_dim3A_11 : vector<16xi32>
        %shift_right_logical3A_219 = arith.constant 14 : i32
        %shift_right_logical3A_220 = vector.broadcast %shift_right_logical3A_219 : i32 to vector<16xi32>
        %shift_right_logical3A_221 = arith.shrui %get3A_212, %shift_right_logical3A_220 : vector<16xi32>
        %gather3A_222 = tpu.vector_load_idx %arg6[%broadcast_in_dim3A_21, %and3A_218] : memref<2x10000xi32, #tpu.memory_space<vmem>>[vector<16xi32>, vector<16xi32>], vector<16xi32>,
        %shift_left3A_223 = arith.constant 16 : i32
        %shift_left3A_224 = vector.broadcast %shift_left3A_223 : i32 to vector<16xi32>
        %shift_left3A_225 = arith.shli %gather3A_222, %shift_left3A_224 : vector<16xi32>
        %bitcast3A_226 = vector.bitcast %shift_left3A_225 : vector<16xi32> to vector<16xf32>
        %and3A_227 = arith.andi %gather3A_222, %broadcast_in_dim3A_5 : vector<16xi32>
        %bitcast3A_228 = vector.bitcast %and3A_227 : vector<16xi32> to vector<16xf32>
        %mul3A_229 = arith.mulf %bitcast3A_226, %bitcast3A_217 : vector<16xf32>
        tpu.vector_store_idx %arg7[%broadcast_in_dim3A_13, %shift_right_logical3A_221], %mul3A_229 {add = true} : memref<4x10000xf32, #tpu.memory_space<vmem>>[vector<16xi32>, vector<16xi32>], vector<16xf32>,
        %mul3A_230 = arith.mulf %bitcast3A_228, %bitcast3A_217 : vector<16xf32>
        tpu.vector_store_idx %arg7[%broadcast_in_dim3A_15, %shift_right_logical3A_221], %mul3A_230 {add = true} : memref<4x10000xf32, #tpu.memory_space<vmem>>[vector<16xi32>, vector<16xi32>], vector<16xf32>,
        %gather3A_231 = tpu.vector_load_idx %arg6[%broadcast_in_dim3A_23, %and3A_218] : memref<2x10000xi32, #tpu.memory_space<vmem>>[vector<16xi32>, vector<16xi32>], vector<16xi32>,
        %shift_left3A_232 = arith.constant 16 : i32
        %shift_left3A_233 = vector.broadcast %shift_left3A_232 : i32 to vector<16xi32>
        %shift_left3A_234 = arith.shli %gather3A_231, %shift_left3A_233 : vector<16xi32>
        %bitcast3A_235 = vector.bitcast %shift_left3A_234 : vector<16xi32> to vector<16xf32>
        %and3A_236 = arith.andi %gather3A_231, %broadcast_in_dim3A_5 : vector<16xi32>
        %bitcast3A_237 = vector.bitcast %and3A_236 : vector<16xi32> to vector<16xf32>
        %mul3A_238 = arith.mulf %bitcast3A_235, %bitcast3A_217 : vector<16xf32>
        tpu.vector_store_idx %arg7[%broadcast_in_dim3A_17, %shift_right_logical3A_221], %mul3A_238 {add = true} : memref<4x10000xf32, #tpu.memory_space<vmem>>[vector<16xi32>, vector<16xi32>], vector<16xf32>,
        %mul3A_239 = arith.mulf %bitcast3A_237, %bitcast3A_217 : vector<16xf32>
        tpu.vector_store_idx %arg7[%broadcast_in_dim3A_19, %shift_right_logical3A_221], %mul3A_239 {add = true} : memref<4x10000xf32, #tpu.memory_space<vmem>>[vector<16xi32>, vector<16xi32>], vector<16xf32>,
        %scan3A_240 = arith.constant 4 : i32
        %scan3A_241 = arith.addi %scan3A_91, %scan3A_240 : i32
        %mul3A_242 = arith.constant 1 : i32
        %mul3A_243 = arith.muli %scan3A_241, %mul3A_242 : i32
        %add3A_244 = arith.constant 0 : i32
        %add3A_245 = arith.addi %add3A_244, %mul3A_243 : i32
        %mul3A_246 = arith.constant 16 : i32
        %mul3A_247 = arith.muli %add3A_245, %mul3A_246 : i32
        %get3A_248 = arith.constant 0 : i32
        %get3A_249 = arith.index_cast %get3A_248 : i32 to index
        %get3A_250 = arith.index_cast %mul3A_247 : i32 to index
        %get3A_251 = tpu.vector_load %arg8[%get3A_249, %get3A_250] {strides = array<i32>} : memref<2x2000xi32, #tpu.memory_space<vmem>>, vector<16xi32>,
        %get3A_252 = arith.constant 1 : i32
        %get3A_253 = arith.index_cast %get3A_252 : i32 to index
        %get3A_254 = arith.index_cast %mul3A_247 : i32 to index
        %get3A_255 = tpu.vector_load %arg8[%get3A_253, %get3A_254] {strides = array<i32>} : memref<2x2000xi32, #tpu.memory_space<vmem>>, vector<16xi32>,
        %bitcast3A_256 = vector.bitcast %get3A_255 : vector<16xi32> to vector<16xf32>
        %and3A_257 = arith.andi %get3A_251, %broadcast_in_dim3A_11 : vector<16xi32>
        %shift_right_logical3A_258 = arith.constant 14 : i32
        %shift_right_logical3A_259 = vector.broadcast %shift_right_logical3A_258 : i32 to vector<16xi32>
        %shift_right_logical3A_260 = arith.shrui %get3A_251, %shift_right_logical3A_259 : vector<16xi32>
        %gather3A_261 = tpu.vector_load_idx %arg6[%broadcast_in_dim3A_21, %and3A_257] : memref<2x10000xi32, #tpu.memory_space<vmem>>[vector<16xi32>, vector<16xi32>], vector<16xi32>,
        %shift_left3A_262 = arith.constant 16 : i32
        %shift_left3A_263 = vector.broadcast %shift_left3A_262 : i32 to vector<16xi32>
        %shift_left3A_264 = arith.shli %gather3A_261, %shift_left3A_263 : vector<16xi32>
        %bitcast3A_265 = vector.bitcast %shift_left3A_264 : vector<16xi32> to vector<16xf32>
        %and3A_266 = arith.andi %gather3A_261, %broadcast_in_dim3A_5 : vector<16xi32>
        %bitcast3A_267 = vector.bitcast %and3A_266 : vector<16xi32> to vector<16xf32>
        %mul3A_268 = arith.mulf %bitcast3A_265, %bitcast3A_256 : vector<16xf32>
        tpu.vector_store_idx %arg7[%broadcast_in_dim3A_13, %shift_right_logical3A_260], %mul3A_268 {add = true} : memref<4x10000xf32, #tpu.memory_space<vmem>>[vector<16xi32>, vector<16xi32>], vector<16xf32>,
        %mul3A_269 = arith.mulf %bitcast3A_267, %bitcast3A_256 : vector<16xf32>
        tpu.vector_store_idx %arg7[%broadcast_in_dim3A_15, %shift_right_logical3A_260], %mul3A_269 {add = true} : memref<4x10000xf32, #tpu.memory_space<vmem>>[vector<16xi32>, vector<16xi32>], vector<16xf32>,
        %gather3A_270 = tpu.vector_load_idx %arg6[%broadcast_in_dim3A_23, %and3A_257] : memref<2x10000xi32, #tpu.memory_space<vmem>>[vector<16xi32>, vector<16xi32>], vector<16xi32>,
        %shift_left3A_271 = arith.constant 16 : i32
        %shift_left3A_272 = vector.broadcast %shift_left3A_271 : i32 to vector<16xi32>
        %shift_left3A_273 = arith.shli %gather3A_270, %shift_left3A_272 : vector<16xi32>
        %bitcast3A_274 = vector.bitcast %shift_left3A_273 : vector<16xi32> to vector<16xf32>
        %and3A_275 = arith.andi %gather3A_270, %broadcast_in_dim3A_5 : vector<16xi32>
        %bitcast3A_276 = vector.bitcast %and3A_275 : vector<16xi32> to vector<16xf32>
        %mul3A_277 = arith.mulf %bitcast3A_274, %bitcast3A_256 : vector<16xf32>
        tpu.vector_store_idx %arg7[%broadcast_in_dim3A_17, %shift_right_logical3A_260], %mul3A_277 {add = true} : memref<4x10000xf32, #tpu.memory_space<vmem>>[vector<16xi32>, vector<16xi32>], vector<16xf32>,
        %mul3A_278 = arith.mulf %bitcast3A_276, %bitcast3A_256 : vector<16xf32>
        tpu.vector_store_idx %arg7[%broadcast_in_dim3A_19, %shift_right_logical3A_260], %mul3A_278 {add = true} : memref<4x10000xf32, #tpu.memory_space<vmem>>[vector<16xi32>, vector<16xi32>], vector<16xf32>,
      }
      %scan3A_64 = arith.constant 125 : i32
      %add3A_65 = arith.constant 2 : i32
      %add3A_66 = arith.addi %mul3A_52, %add3A_65 : i32
      %lt3A = arith.constant 160 : i32
      %lt3A_67 = arith.cmpi slt, %add3A_66, %lt3A : i32
      %convert_element_type3A = arith.extui %lt3A_67 : i1 to i32
      %cond3A = arith.constant 0 : i32
      %cond3A_68 = arith.cmpi ne, %convert_element_type3A, %cond3A : i32
      scf.if %cond3A_68 {
        %add3A_91 = arith.constant 2 : i32
        %add3A_92 = arith.addi %mul3A_52, %add3A_91 : i32
        %dma_start3A_93 = arith.constant 0 : i32
        %dma_start3A_94 = arith.constant 0 : i32
        %dma_start3A_95 = tpu.memref_slice %arg2[%add3A_92, %dma_start3A_93, %dma_start3A_94] : memref<160x2x2000xi32, #tpu.memory_space<hbm>> -> memref<1x2x2000xi32, #tpu.memory_space<hbm>>
        %dma_start3A_96 = tpu.memref_squeeze %dma_start3A_95 : memref<1x2x2000xi32, #tpu.memory_space<hbm>> -> memref<2x2000xi32, #tpu.memory_space<hbm>>
        %dma_start3A_97 = arith.constant 0 : i32
        %dma_start3A_98 = arith.constant 0 : i32
        %dma_start3A_99 = tpu.memref_slice %arg2[%add3A_92, %dma_start3A_97, %dma_start3A_98] : memref<160x2x2000xi32, #tpu.memory_space<hbm>> -> memref<1x2x2000xi32, #tpu.memory_space<hbm>>
        %dma_start3A_100 = tpu.memref_squeeze %dma_start3A_99 : memref<1x2x2000xi32, #tpu.memory_space<hbm>> -> memref<2x2000xi32, #tpu.memory_space<hbm>>
        tpu.enqueue_dma source(%dma_start3A_100 : memref<2x2000xi32, #tpu.memory_space<hbm>>) target(%arg8 : memref<2x2000xi32, #tpu.memory_space<vmem>>) target_semaphore(%arg10 : memref<!tpu.dma_semaphore, #tpu.memory_space<semaphore_mem>>)
      } else {
      }
      %add3A_69 = arith.constant 1 : i32
      %add3A_70 = arith.addi %mul3A_52, %add3A_69 : i32
      %dma_wait3A_71 = arith.constant 0 : i32
      %dma_wait3A_72 = arith.constant 0 : i32
      %dma_wait3A_73 = tpu.memref_slice %arg2[%add3A_70, %dma_wait3A_71, %dma_wait3A_72] : memref<160x2x2000xi32, #tpu.memory_space<hbm>> -> memref<1x2x2000xi32, #tpu.memory_space<hbm>>
      %dma_wait3A_74 = tpu.memref_squeeze %dma_wait3A_73 : memref<1x2x2000xi32, #tpu.memory_space<hbm>> -> memref<2x2000xi32, #tpu.memory_space<hbm>>
      %dma_wait3A_75 = arith.constant 0 : i32
      %dma_wait3A_76 = arith.constant 0 : i32
      %dma_wait3A_77 = tpu.memref_slice %arg2[%add3A_70, %dma_wait3A_75, %dma_wait3A_76] : memref<160x2x2000xi32, #tpu.memory_space<hbm>> -> memref<1x2x2000xi32, #tpu.memory_space<hbm>>
      %dma_wait3A_78 = tpu.memref_squeeze %dma_wait3A_77 : memref<1x2x2000xi32, #tpu.memory_space<hbm>> -> memref<2x2000xi32, #tpu.memory_space<hbm>>
      tpu.wait_dma2 semaphore(%arg11 : memref<!tpu.dma_semaphore, #tpu.memory_space<semaphore_mem>>) src(%dma_wait3A_78 : memref<2x2000xi32, #tpu.memory_space<hbm>>) dst(%arg9 : memref<2x2000xi32, #tpu.memory_space<vmem>>)
      %scan3A_79 = arith.constant 0 : i32
      %scan3A_80 = arith.constant 125 : i32
      %scan3A_81 = arith.addi %scan3A_79, %scan3A_80 : i32
      %scan3A_82 = arith.constant 5 : i32
      scf.for %scan3A_91 = %scan3A_79 to %scan3A_81 step %scan3A_82  : i32 {
        %mul3A_92 = arith.constant 1 : i32
        %mul3A_93 = arith.muli %scan3A_91, %mul3A_92 : i32
        %add3A_94 = arith.constant 0 : i32
        %add3A_95 = arith.addi %add3A_94, %mul3A_93 : i32
        %mul3A_96 = arith.constant 16 : i32
        %mul3A_97 = arith.muli %add3A_95, %mul3A_96 : i32
        %get3A = arith.constant 0 : i32
        %get3A_98 = arith.index_cast %get3A : i32 to index
        %get3A_99 = arith.index_cast %mul3A_97 : i32 to index
        %get3A_100 = tpu.vector_load %arg9[%get3A_98, %get3A_99] {strides = array<i32>} : memref<2x2000xi32, #tpu.memory_space<vmem>>, vector<16xi32>,
        %get3A_101 = arith.constant 1 : i32
        %get3A_102 = arith.index_cast %get3A_101 : i32 to index
        %get3A_103 = arith.index_cast %mul3A_97 : i32 to index
        %get3A_104 = tpu.vector_load %arg9[%get3A_102, %get3A_103] {strides = array<i32>} : memref<2x2000xi32, #tpu.memory_space<vmem>>, vector<16xi32>,
        %bitcast3A = vector.bitcast %get3A_104 : vector<16xi32> to vector<16xf32>
        %and3A = arith.andi %get3A_100, %broadcast_in_dim3A_11 : vector<16xi32>
        %shift_right_logical3A = arith.constant 14 : i32
        %shift_right_logical3A_105 = vector.broadcast %shift_right_logical3A : i32 to vector<16xi32>
        %shift_right_logical3A_106 = arith.shrui %get3A_100, %shift_right_logical3A_105 : vector<16xi32>
        %gather3A = tpu.vector_load_idx %arg6[%broadcast_in_dim3A_21, %and3A] : memref<2x10000xi32, #tpu.memory_space<vmem>>[vector<16xi32>, vector<16xi32>], vector<16xi32>,
        %shift_left3A = arith.constant 16 : i32
        %shift_left3A_107 = vector.broadcast %shift_left3A : i32 to vector<16xi32>
        %shift_left3A_108 = arith.shli %gather3A, %shift_left3A_107 : vector<16xi32>
        %bitcast3A_109 = vector.bitcast %shift_left3A_108 : vector<16xi32> to vector<16xf32>
        %and3A_110 = arith.andi %gather3A, %broadcast_in_dim3A_5 : vector<16xi32>
        %bitcast3A_111 = vector.bitcast %and3A_110 : vector<16xi32> to vector<16xf32>
        %mul3A_112 = arith.mulf %bitcast3A_109, %bitcast3A : vector<16xf32>
        tpu.vector_store_idx %arg7[%broadcast_in_dim3A_13, %shift_right_logical3A_106], %mul3A_112 {add = true} : memref<4x10000xf32, #tpu.memory_space<vmem>>[vector<16xi32>, vector<16xi32>], vector<16xf32>,
        %mul3A_113 = arith.mulf %bitcast3A_111, %bitcast3A : vector<16xf32>
        tpu.vector_store_idx %arg7[%broadcast_in_dim3A_15, %shift_right_logical3A_106], %mul3A_113 {add = true} : memref<4x10000xf32, #tpu.memory_space<vmem>>[vector<16xi32>, vector<16xi32>], vector<16xf32>,
        %gather3A_114 = tpu.vector_load_idx %arg6[%broadcast_in_dim3A_23, %and3A] : memref<2x10000xi32, #tpu.memory_space<vmem>>[vector<16xi32>, vector<16xi32>], vector<16xi32>,
        %shift_left3A_115 = arith.constant 16 : i32
        %shift_left3A_116 = vector.broadcast %shift_left3A_115 : i32 to vector<16xi32>
        %shift_left3A_117 = arith.shli %gather3A_114, %shift_left3A_116 : vector<16xi32>
        %bitcast3A_118 = vector.bitcast %shift_left3A_117 : vector<16xi32> to vector<16xf32>
        %and3A_119 = arith.andi %gather3A_114, %broadcast_in_dim3A_5 : vector<16xi32>
        %bitcast3A_120 = vector.bitcast %and3A_119 : vector<16xi32> to vector<16xf32>
        %mul3A_121 = arith.mulf %bitcast3A_118, %bitcast3A : vector<16xf32>
        tpu.vector_store_idx %arg7[%broadcast_in_dim3A_17, %shift_right_logical3A_106], %mul3A_121 {add = true} : memref<4x10000xf32, #tpu.memory_space<vmem>>[vector<16xi32>, vector<16xi32>], vector<16xf32>,
        %mul3A_122 = arith.mulf %bitcast3A_120, %bitcast3A : vector<16xf32>
        tpu.vector_store_idx %arg7[%broadcast_in_dim3A_19, %shift_right_logical3A_106], %mul3A_122 {add = true} : memref<4x10000xf32, #tpu.memory_space<vmem>>[vector<16xi32>, vector<16xi32>], vector<16xf32>,
        %scan3A_123 = arith.constant 1 : i32
        %scan3A_124 = arith.addi %scan3A_91, %scan3A_123 : i32
        %mul3A_125 = arith.constant 1 : i32
        %mul3A_126 = arith.muli %scan3A_124, %mul3A_125 : i32
        %add3A_127 = arith.constant 0 : i32
        %add3A_128 = arith.addi %add3A_127, %mul3A_126 : i32
        %mul3A_129 = arith.constant 16 : i32
        %mul3A_130 = arith.muli %add3A_128, %mul3A_129 : i32
        %get3A_131 = arith.constant 0 : i32
        %get3A_132 = arith.index_cast %get3A_131 : i32 to index
        %get3A_133 = arith.index_cast %mul3A_130 : i32 to index
        %get3A_134 = tpu.vector_load %arg9[%get3A_132, %get3A_133] {strides = array<i32>} : memref<2x2000xi32, #tpu.memory_space<vmem>>, vector<16xi32>,
        %get3A_135 = arith.constant 1 : i32
        %get3A_136 = arith.index_cast %get3A_135 : i32 to index
        %get3A_137 = arith.index_cast %mul3A_130 : i32 to index
        %get3A_138 = tpu.vector_load %arg9[%get3A_136, %get3A_137] {strides = array<i32>} : memref<2x2000xi32, #tpu.memory_space<vmem>>, vector<16xi32>,
        %bitcast3A_139 = vector.bitcast %get3A_138 : vector<16xi32> to vector<16xf32>
        %and3A_140 = arith.andi %get3A_134, %broadcast_in_dim3A_11 : vector<16xi32>
        %shift_right_logical3A_141 = arith.constant 14 : i32
        %shift_right_logical3A_142 = vector.broadcast %shift_right_logical3A_141 : i32 to vector<16xi32>
        %shift_right_logical3A_143 = arith.shrui %get3A_134, %shift_right_logical3A_142 : vector<16xi32>
        %gather3A_144 = tpu.vector_load_idx %arg6[%broadcast_in_dim3A_21, %and3A_140] : memref<2x10000xi32, #tpu.memory_space<vmem>>[vector<16xi32>, vector<16xi32>], vector<16xi32>,
        %shift_left3A_145 = arith.constant 16 : i32
        %shift_left3A_146 = vector.broadcast %shift_left3A_145 : i32 to vector<16xi32>
        %shift_left3A_147 = arith.shli %gather3A_144, %shift_left3A_146 : vector<16xi32>
        %bitcast3A_148 = vector.bitcast %shift_left3A_147 : vector<16xi32> to vector<16xf32>
        %and3A_149 = arith.andi %gather3A_144, %broadcast_in_dim3A_5 : vector<16xi32>
        %bitcast3A_150 = vector.bitcast %and3A_149 : vector<16xi32> to vector<16xf32>
        %mul3A_151 = arith.mulf %bitcast3A_148, %bitcast3A_139 : vector<16xf32>
        tpu.vector_store_idx %arg7[%broadcast_in_dim3A_13, %shift_right_logical3A_143], %mul3A_151 {add = true} : memref<4x10000xf32, #tpu.memory_space<vmem>>[vector<16xi32>, vector<16xi32>], vector<16xf32>,
        %mul3A_152 = arith.mulf %bitcast3A_150, %bitcast3A_139 : vector<16xf32>
        tpu.vector_store_idx %arg7[%broadcast_in_dim3A_15, %shift_right_logical3A_143], %mul3A_152 {add = true} : memref<4x10000xf32, #tpu.memory_space<vmem>>[vector<16xi32>, vector<16xi32>], vector<16xf32>,
        %gather3A_153 = tpu.vector_load_idx %arg6[%broadcast_in_dim3A_23, %and3A_140] : memref<2x10000xi32, #tpu.memory_space<vmem>>[vector<16xi32>, vector<16xi32>], vector<16xi32>,
        %shift_left3A_154 = arith.constant 16 : i32
        %shift_left3A_155 = vector.broadcast %shift_left3A_154 : i32 to vector<16xi32>
        %shift_left3A_156 = arith.shli %gather3A_153, %shift_left3A_155 : vector<16xi32>
        %bitcast3A_157 = vector.bitcast %shift_left3A_156 : vector<16xi32> to vector<16xf32>
        %and3A_158 = arith.andi %gather3A_153, %broadcast_in_dim3A_5 : vector<16xi32>
        %bitcast3A_159 = vector.bitcast %and3A_158 : vector<16xi32> to vector<16xf32>
        %mul3A_160 = arith.mulf %bitcast3A_157, %bitcast3A_139 : vector<16xf32>
        tpu.vector_store_idx %arg7[%broadcast_in_dim3A_17, %shift_right_logical3A_143], %mul3A_160 {add = true} : memref<4x10000xf32, #tpu.memory_space<vmem>>[vector<16xi32>, vector<16xi32>], vector<16xf32>,
        %mul3A_161 = arith.mulf %bitcast3A_159, %bitcast3A_139 : vector<16xf32>
        tpu.vector_store_idx %arg7[%broadcast_in_dim3A_19, %shift_right_logical3A_143], %mul3A_161 {add = true} : memref<4x10000xf32, #tpu.memory_space<vmem>>[vector<16xi32>, vector<16xi32>], vector<16xf32>,
        %scan3A_162 = arith.constant 2 : i32
        %scan3A_163 = arith.addi %scan3A_91, %scan3A_162 : i32
        %mul3A_164 = arith.constant 1 : i32
        %mul3A_165 = arith.muli %scan3A_163, %mul3A_164 : i32
        %add3A_166 = arith.constant 0 : i32
        %add3A_167 = arith.addi %add3A_166, %mul3A_165 : i32
        %mul3A_168 = arith.constant 16 : i32
        %mul3A_169 = arith.muli %add3A_167, %mul3A_168 : i32
        %get3A_170 = arith.constant 0 : i32
        %get3A_171 = arith.index_cast %get3A_170 : i32 to index
        %get3A_172 = arith.index_cast %mul3A_169 : i32 to index
        %get3A_173 = tpu.vector_load %arg9[%get3A_171, %get3A_172] {strides = array<i32>} : memref<2x2000xi32, #tpu.memory_space<vmem>>, vector<16xi32>,
        %get3A_174 = arith.constant 1 : i32
        %get3A_175 = arith.index_cast %get3A_174 : i32 to index
        %get3A_176 = arith.index_cast %mul3A_169 : i32 to index
        %get3A_177 = tpu.vector_load %arg9[%get3A_175, %get3A_176] {strides = array<i32>} : memref<2x2000xi32, #tpu.memory_space<vmem>>, vector<16xi32>,
        %bitcast3A_178 = vector.bitcast %get3A_177 : vector<16xi32> to vector<16xf32>
        %and3A_179 = arith.andi %get3A_173, %broadcast_in_dim3A_11 : vector<16xi32>
        %shift_right_logical3A_180 = arith.constant 14 : i32
        %shift_right_logical3A_181 = vector.broadcast %shift_right_logical3A_180 : i32 to vector<16xi32>
        %shift_right_logical3A_182 = arith.shrui %get3A_173, %shift_right_logical3A_181 : vector<16xi32>
        %gather3A_183 = tpu.vector_load_idx %arg6[%broadcast_in_dim3A_21, %and3A_179] : memref<2x10000xi32, #tpu.memory_space<vmem>>[vector<16xi32>, vector<16xi32>], vector<16xi32>,
        %shift_left3A_184 = arith.constant 16 : i32
        %shift_left3A_185 = vector.broadcast %shift_left3A_184 : i32 to vector<16xi32>
        %shift_left3A_186 = arith.shli %gather3A_183, %shift_left3A_185 : vector<16xi32>
        %bitcast3A_187 = vector.bitcast %shift_left3A_186 : vector<16xi32> to vector<16xf32>
        %and3A_188 = arith.andi %gather3A_183, %broadcast_in_dim3A_5 : vector<16xi32>
        %bitcast3A_189 = vector.bitcast %and3A_188 : vector<16xi32> to vector<16xf32>
        %mul3A_190 = arith.mulf %bitcast3A_187, %bitcast3A_178 : vector<16xf32>
        tpu.vector_store_idx %arg7[%broadcast_in_dim3A_13, %shift_right_logical3A_182], %mul3A_190 {add = true} : memref<4x10000xf32, #tpu.memory_space<vmem>>[vector<16xi32>, vector<16xi32>], vector<16xf32>,
        %mul3A_191 = arith.mulf %bitcast3A_189, %bitcast3A_178 : vector<16xf32>
        tpu.vector_store_idx %arg7[%broadcast_in_dim3A_15, %shift_right_logical3A_182], %mul3A_191 {add = true} : memref<4x10000xf32, #tpu.memory_space<vmem>>[vector<16xi32>, vector<16xi32>], vector<16xf32>,
        %gather3A_192 = tpu.vector_load_idx %arg6[%broadcast_in_dim3A_23, %and3A_179] : memref<2x10000xi32, #tpu.memory_space<vmem>>[vector<16xi32>, vector<16xi32>], vector<16xi32>,
        %shift_left3A_193 = arith.constant 16 : i32
        %shift_left3A_194 = vector.broadcast %shift_left3A_193 : i32 to vector<16xi32>
        %shift_left3A_195 = arith.shli %gather3A_192, %shift_left3A_194 : vector<16xi32>
        %bitcast3A_196 = vector.bitcast %shift_left3A_195 : vector<16xi32> to vector<16xf32>
        %and3A_197 = arith.andi %gather3A_192, %broadcast_in_dim3A_5 : vector<16xi32>
        %bitcast3A_198 = vector.bitcast %and3A_197 : vector<16xi32> to vector<16xf32>
        %mul3A_199 = arith.mulf %bitcast3A_196, %bitcast3A_178 : vector<16xf32>
        tpu.vector_store_idx %arg7[%broadcast_in_dim3A_17, %shift_right_logical3A_182], %mul3A_199 {add = true} : memref<4x10000xf32, #tpu.memory_space<vmem>>[vector<16xi32>, vector<16xi32>], vector<16xf32>,
        %mul3A_200 = arith.mulf %bitcast3A_198, %bitcast3A_178 : vector<16xf32>
        tpu.vector_store_idx %arg7[%broadcast_in_dim3A_19, %shift_right_logical3A_182], %mul3A_200 {add = true} : memref<4x10000xf32, #tpu.memory_space<vmem>>[vector<16xi32>, vector<16xi32>], vector<16xf32>,
        %scan3A_201 = arith.constant 3 : i32
        %scan3A_202 = arith.addi %scan3A_91, %scan3A_201 : i32
        %mul3A_203 = arith.constant 1 : i32
        %mul3A_204 = arith.muli %scan3A_202, %mul3A_203 : i32
        %add3A_205 = arith.constant 0 : i32
        %add3A_206 = arith.addi %add3A_205, %mul3A_204 : i32
        %mul3A_207 = arith.constant 16 : i32
        %mul3A_208 = arith.muli %add3A_206, %mul3A_207 : i32
        %get3A_209 = arith.constant 0 : i32
        %get3A_210 = arith.index_cast %get3A_209 : i32 to index
        %get3A_211 = arith.index_cast %mul3A_208 : i32 to index
        %get3A_212 = tpu.vector_load %arg9[%get3A_210, %get3A_211] {strides = array<i32>} : memref<2x2000xi32, #tpu.memory_space<vmem>>, vector<16xi32>,
        %get3A_213 = arith.constant 1 : i32
        %get3A_214 = arith.index_cast %get3A_213 : i32 to index
        %get3A_215 = arith.index_cast %mul3A_208 : i32 to index
        %get3A_216 = tpu.vector_load %arg9[%get3A_214, %get3A_215] {strides = array<i32>} : memref<2x2000xi32, #tpu.memory_space<vmem>>, vector<16xi32>,
        %bitcast3A_217 = vector.bitcast %get3A_216 : vector<16xi32> to vector<16xf32>
        %and3A_218 = arith.andi %get3A_212, %broadcast_in_dim3A_11 : vector<16xi32>
        %shift_right_logical3A_219 = arith.constant 14 : i32
        %shift_right_logical3A_220 = vector.broadcast %shift_right_logical3A_219 : i32 to vector<16xi32>
        %shift_right_logical3A_221 = arith.shrui %get3A_212, %shift_right_logical3A_220 : vector<16xi32>
        %gather3A_222 = tpu.vector_load_idx %arg6[%broadcast_in_dim3A_21, %and3A_218] : memref<2x10000xi32, #tpu.memory_space<vmem>>[vector<16xi32>, vector<16xi32>], vector<16xi32>,
        %shift_left3A_223 = arith.constant 16 : i32
        %shift_left3A_224 = vector.broadcast %shift_left3A_223 : i32 to vector<16xi32>
        %shift_left3A_225 = arith.shli %gather3A_222, %shift_left3A_224 : vector<16xi32>
        %bitcast3A_226 = vector.bitcast %shift_left3A_225 : vector<16xi32> to vector<16xf32>
        %and3A_227 = arith.andi %gather3A_222, %broadcast_in_dim3A_5 : vector<16xi32>
        %bitcast3A_228 = vector.bitcast %and3A_227 : vector<16xi32> to vector<16xf32>
        %mul3A_229 = arith.mulf %bitcast3A_226, %bitcast3A_217 : vector<16xf32>
        tpu.vector_store_idx %arg7[%broadcast_in_dim3A_13, %shift_right_logical3A_221], %mul3A_229 {add = true} : memref<4x10000xf32, #tpu.memory_space<vmem>>[vector<16xi32>, vector<16xi32>], vector<16xf32>,
        %mul3A_230 = arith.mulf %bitcast3A_228, %bitcast3A_217 : vector<16xf32>
        tpu.vector_store_idx %arg7[%broadcast_in_dim3A_15, %shift_right_logical3A_221], %mul3A_230 {add = true} : memref<4x10000xf32, #tpu.memory_space<vmem>>[vector<16xi32>, vector<16xi32>], vector<16xf32>,
        %gather3A_231 = tpu.vector_load_idx %arg6[%broadcast_in_dim3A_23, %and3A_218] : memref<2x10000xi32, #tpu.memory_space<vmem>>[vector<16xi32>, vector<16xi32>], vector<16xi32>,
        %shift_left3A_232 = arith.constant 16 : i32
        %shift_left3A_233 = vector.broadcast %shift_left3A_232 : i32 to vector<16xi32>
        %shift_left3A_234 = arith.shli %gather3A_231, %shift_left3A_233 : vector<16xi32>
        %bitcast3A_235 = vector.bitcast %shift_left3A_234 : vector<16xi32> to vector<16xf32>
        %and3A_236 = arith.andi %gather3A_231, %broadcast_in_dim3A_5 : vector<16xi32>
        %bitcast3A_237 = vector.bitcast %and3A_236 : vector<16xi32> to vector<16xf32>
        %mul3A_238 = arith.mulf %bitcast3A_235, %bitcast3A_217 : vector<16xf32>
        tpu.vector_store_idx %arg7[%broadcast_in_dim3A_17, %shift_right_logical3A_221], %mul3A_238 {add = true} : memref<4x10000xf32, #tpu.memory_space<vmem>>[vector<16xi32>, vector<16xi32>], vector<16xf32>,
        %mul3A_239 = arith.mulf %bitcast3A_237, %bitcast3A_217 : vector<16xf32>
        tpu.vector_store_idx %arg7[%broadcast_in_dim3A_19, %shift_right_logical3A_221], %mul3A_239 {add = true} : memref<4x10000xf32, #tpu.memory_space<vmem>>[vector<16xi32>, vector<16xi32>], vector<16xf32>,
        %scan3A_240 = arith.constant 4 : i32
        %scan3A_241 = arith.addi %scan3A_91, %scan3A_240 : i32
        %mul3A_242 = arith.constant 1 : i32
        %mul3A_243 = arith.muli %scan3A_241, %mul3A_242 : i32
        %add3A_244 = arith.constant 0 : i32
        %add3A_245 = arith.addi %add3A_244, %mul3A_243 : i32
        %mul3A_246 = arith.constant 16 : i32
        %mul3A_247 = arith.muli %add3A_245, %mul3A_246 : i32
        %get3A_248 = arith.constant 0 : i32
        %get3A_249 = arith.index_cast %get3A_248 : i32 to index
        %get3A_250 = arith.index_cast %mul3A_247 : i32 to index
        %get3A_251 = tpu.vector_load %arg9[%get3A_249, %get3A_250] {strides = array<i32>} : memref<2x2000xi32, #tpu.memory_space<vmem>>, vector<16xi32>,
        %get3A_252 = arith.constant 1 : i32
        %get3A_253 = arith.index_cast %get3A_252 : i32 to index
        %get3A_254 = arith.index_cast %mul3A_247 : i32 to index
        %get3A_255 = tpu.vector_load %arg9[%get3A_253, %get3A_254] {strides = array<i32>} : memref<2x2000xi32, #tpu.memory_space<vmem>>, vector<16xi32>,
        %bitcast3A_256 = vector.bitcast %get3A_255 : vector<16xi32> to vector<16xf32>
        %and3A_257 = arith.andi %get3A_251, %broadcast_in_dim3A_11 : vector<16xi32>
        %shift_right_logical3A_258 = arith.constant 14 : i32
        %shift_right_logical3A_259 = vector.broadcast %shift_right_logical3A_258 : i32 to vector<16xi32>
        %shift_right_logical3A_260 = arith.shrui %get3A_251, %shift_right_logical3A_259 : vector<16xi32>
        %gather3A_261 = tpu.vector_load_idx %arg6[%broadcast_in_dim3A_21, %and3A_257] : memref<2x10000xi32, #tpu.memory_space<vmem>>[vector<16xi32>, vector<16xi32>], vector<16xi32>,
        %shift_left3A_262 = arith.constant 16 : i32
        %shift_left3A_263 = vector.broadcast %shift_left3A_262 : i32 to vector<16xi32>
        %shift_left3A_264 = arith.shli %gather3A_261, %shift_left3A_263 : vector<16xi32>
        %bitcast3A_265 = vector.bitcast %shift_left3A_264 : vector<16xi32> to vector<16xf32>
        %and3A_266 = arith.andi %gather3A_261, %broadcast_in_dim3A_5 : vector<16xi32>
        %bitcast3A_267 = vector.bitcast %and3A_266 : vector<16xi32> to vector<16xf32>
        %mul3A_268 = arith.mulf %bitcast3A_265, %bitcast3A_256 : vector<16xf32>
        tpu.vector_store_idx %arg7[%broadcast_in_dim3A_13, %shift_right_logical3A_260], %mul3A_268 {add = true} : memref<4x10000xf32, #tpu.memory_space<vmem>>[vector<16xi32>, vector<16xi32>], vector<16xf32>,
        %mul3A_269 = arith.mulf %bitcast3A_267, %bitcast3A_256 : vector<16xf32>
        tpu.vector_store_idx %arg7[%broadcast_in_dim3A_15, %shift_right_logical3A_260], %mul3A_269 {add = true} : memref<4x10000xf32, #tpu.memory_space<vmem>>[vector<16xi32>, vector<16xi32>], vector<16xf32>,
        %gather3A_270 = tpu.vector_load_idx %arg6[%broadcast_in_dim3A_23, %and3A_257] : memref<2x10000xi32, #tpu.memory_space<vmem>>[vector<16xi32>, vector<16xi32>], vector<16xi32>,
        %shift_left3A_271 = arith.constant 16 : i32
        %shift_left3A_272 = vector.broadcast %shift_left3A_271 : i32 to vector<16xi32>
        %shift_left3A_273 = arith.shli %gather3A_270, %shift_left3A_272 : vector<16xi32>
        %bitcast3A_274 = vector.bitcast %shift_left3A_273 : vector<16xi32> to vector<16xf32>
        %and3A_275 = arith.andi %gather3A_270, %broadcast_in_dim3A_5 : vector<16xi32>
        %bitcast3A_276 = vector.bitcast %and3A_275 : vector<16xi32> to vector<16xf32>
        %mul3A_277 = arith.mulf %bitcast3A_274, %bitcast3A_256 : vector<16xf32>
        tpu.vector_store_idx %arg7[%broadcast_in_dim3A_17, %shift_right_logical3A_260], %mul3A_277 {add = true} : memref<4x10000xf32, #tpu.memory_space<vmem>>[vector<16xi32>, vector<16xi32>], vector<16xf32>,
        %mul3A_278 = arith.mulf %bitcast3A_276, %bitcast3A_256 : vector<16xf32>
        tpu.vector_store_idx %arg7[%broadcast_in_dim3A_19, %shift_right_logical3A_260], %mul3A_278 {add = true} : memref<4x10000xf32, #tpu.memory_space<vmem>>[vector<16xi32>, vector<16xi32>], vector<16xf32>,
      }
      %scan3A_83 = arith.constant 125 : i32
      %add3A_84 = arith.constant 3 : i32
      %add3A_85 = arith.addi %mul3A_52, %add3A_84 : i32
      %lt3A_86 = arith.constant 160 : i32
      %lt3A_87 = arith.cmpi slt, %add3A_85, %lt3A_86 : i32
      %convert_element_type3A_88 = arith.extui %lt3A_87 : i1 to i32
      %cond3A_89 = arith.constant 0 : i32
      %cond3A_90 = arith.cmpi ne, %convert_element_type3A_88, %cond3A_89 : i32
      scf.if %cond3A_90 {
        %add3A_91 = arith.constant 3 : i32
        %add3A_92 = arith.addi %mul3A_52, %add3A_91 : i32
        %dma_start3A_93 = arith.constant 0 : i32
        %dma_start3A_94 = arith.constant 0 : i32
        %dma_start3A_95 = tpu.memref_slice %arg2[%add3A_92, %dma_start3A_93, %dma_start3A_94] : memref<160x2x2000xi32, #tpu.memory_space<hbm>> -> memref<1x2x2000xi32, #tpu.memory_space<hbm>>
        %dma_start3A_96 = tpu.memref_squeeze %dma_start3A_95 : memref<1x2x2000xi32, #tpu.memory_space<hbm>> -> memref<2x2000xi32, #tpu.memory_space<hbm>>
        %dma_start3A_97 = arith.constant 0 : i32
        %dma_start3A_98 = arith.constant 0 : i32
        %dma_start3A_99 = tpu.memref_slice %arg2[%add3A_92, %dma_start3A_97, %dma_start3A_98] : memref<160x2x2000xi32, #tpu.memory_space<hbm>> -> memref<1x2x2000xi32, #tpu.memory_space<hbm>>
        %dma_start3A_100 = tpu.memref_squeeze %dma_start3A_99 : memref<1x2x2000xi32, #tpu.memory_space<hbm>> -> memref<2x2000xi32, #tpu.memory_space<hbm>>
        tpu.enqueue_dma source(%dma_start3A_100 : memref<2x2000xi32, #tpu.memory_space<hbm>>) target(%arg9 : memref<2x2000xi32, #tpu.memory_space<vmem>>) target_semaphore(%arg11 : memref<!tpu.dma_semaphore, #tpu.memory_space<semaphore_mem>>)
      } else {
      }
    }
    %scan3A_45 = arith.constant 80 : i32
    "tpu.region"() ({
      %run_scoped3A = tpu.sem_alloc : memref<!tpu.dma_semaphore, #tpu.memory_space<semaphore_mem>>
      %dma_start3A_46 = arith.constant 0 : i32
      %dma_start3A_47 = arith.constant 0 : i32
      %dma_start3A_48 = tpu.memref_slice %arg4[%add3A, %dma_start3A_46, %dma_start3A_47] : memref<32x4x10000xf32, #tpu.memory_space<hbm>> -> memref<1x4x10000xf32, #tpu.memory_space<hbm>>
      %dma_start3A_49 = tpu.memref_squeeze %dma_start3A_48 : memref<1x4x10000xf32, #tpu.memory_space<hbm>> -> memref<4x10000xf32, #tpu.memory_space<hbm>>
      %dma_start3A_50 = arith.constant 0 : i32
      %dma_start3A_51 = arith.constant 0 : i32
      %dma_start3A_52 = tpu.memref_slice %arg4[%add3A, %dma_start3A_50, %dma_start3A_51] : memref<32x4x10000xf32, #tpu.memory_space<hbm>> -> memref<1x4x10000xf32, #tpu.memory_space<hbm>>
      %dma_start3A_53 = tpu.memref_squeeze %dma_start3A_52 : memref<1x4x10000xf32, #tpu.memory_space<hbm>> -> memref<4x10000xf32, #tpu.memory_space<hbm>>
      tpu.enqueue_dma source(%arg7 : memref<4x10000xf32, #tpu.memory_space<vmem>>) target(%dma_start3A_53 : memref<4x10000xf32, #tpu.memory_space<hbm>>) target_semaphore(%run_scoped3A : memref<!tpu.dma_semaphore, #tpu.memory_space<semaphore_mem>>)
      %dma_wait3A = arith.constant 0 : i32
      %dma_wait3A_54 = arith.constant 0 : i32
      %dma_wait3A_55 = tpu.memref_slice %arg4[%add3A, %dma_wait3A, %dma_wait3A_54] : memref<32x4x10000xf32, #tpu.memory_space<hbm>> -> memref<1x4x10000xf32, #tpu.memory_space<hbm>>
      %dma_wait3A_56 = tpu.memref_squeeze %dma_wait3A_55 : memref<1x4x10000xf32, #tpu.memory_space<hbm>> -> memref<4x10000xf32, #tpu.memory_space<hbm>>
      %dma_wait3A_57 = arith.constant 0 : i32
      %dma_wait3A_58 = arith.constant 0 : i32
      %dma_wait3A_59 = tpu.memref_slice %arg4[%add3A, %dma_wait3A_57, %dma_wait3A_58] : memref<32x4x10000xf32, #tpu.memory_space<hbm>> -> memref<1x4x10000xf32, #tpu.memory_space<hbm>>
      %dma_wait3A_60 = tpu.memref_squeeze %dma_wait3A_59 : memref<1x4x10000xf32, #tpu.memory_space<hbm>> -> memref<4x10000xf32, #tpu.memory_space<hbm>>
      tpu.wait_dma2 semaphore(%run_scoped3A : memref<!tpu.dma_semaphore, #tpu.memory_space<semaphore_mem>>) src(%arg7 : memref<4x10000xf32, #tpu.memory_space<vmem>>) dst(%dma_wait3A_60 : memref<4x10000xf32, #tpu.memory_space<hbm>>)
      tpu.yield
    }) : () -> ()
    return
  }
}

#map = affine_map<(d0, d1) -> (0, 0)>
#map1 = affine_map<(d0, d1) -> (0, 0, 0)>
module attributes {stable_mosaic.version = 14 : i64} {
  func.func @_sc_weights(%arg0: i32, %arg1: i32, %arg2: memref<2x320000xi32, #tpu.memory_space<hbm>>, %arg3: memref<10000x2xf32, #tpu.memory_space<hbm>>, %arg4: memref<160x2x2000xi32, #tpu.memory_space<hbm>>, %arg5: memref<32x1x10000xf32, #tpu.memory_space<hbm>>, %arg6: memref<2000xi32, #tpu.memory_space<vmem>>, %arg7: memref<2000xi32, #tpu.memory_space<vmem>>, %arg8: memref<2x2000xi32, #tpu.memory_space<vmem>>, %arg9: memref<10000x2xf32, #tpu.memory_space<vmem>>, %arg10: memref<1x10000xf32, #tpu.memory_space<vmem>>) attributes {dimension_semantics = [#tpu.dimension_semantics<core_parallel>, #tpu.dimension_semantics<subcore_parallel>], iteration_bounds = array<i64: 2, 16>, scalar_prefetch = 0 : i64, scratch_operands = 5 : i64, tpu.core_type = #tpu.core_type<sc_vector_subcore>, window_params = [{transform_indices = #map}, {transform_indices = #map}, {transform_indices = #map1}, {transform_indices = #map1}]} {
    %mul3A = arith.constant 16 : i32
    %mul3A_0 = arith.muli %arg0, %mul3A : i32
    %add3A = arith.addi %mul3A_0, %arg1 : i32
    %mul3A_1 = arith.constant 10000 : i32
    %mul3A_2 = arith.muli %add3A, %mul3A_1 : i32
    "tpu.region"() ({
      %run_scoped3A_86 = tpu.sem_alloc : memref<!tpu.dma_semaphore, #tpu.memory_space<semaphore_mem>>
      tpu.enqueue_dma source(%arg3 : memref<10000x2xf32, #tpu.memory_space<hbm>>) target(%arg9 : memref<10000x2xf32, #tpu.memory_space<vmem>>) target_semaphore(%run_scoped3A_86 : memref<!tpu.dma_semaphore, #tpu.memory_space<semaphore_mem>>)
      tpu.wait_dma2 semaphore(%run_scoped3A_86 : memref<!tpu.dma_semaphore, #tpu.memory_space<semaphore_mem>>) src(%arg3 : memref<10000x2xf32, #tpu.memory_space<hbm>>) dst(%arg9 : memref<10000x2xf32, #tpu.memory_space<vmem>>)
      tpu.yield
    }) : () -> ()
    %broadcast_in_dim3A = arith.constant 0.000000e+00 : f32
    %broadcast_in_dim3A_3 = vector.broadcast %broadcast_in_dim3A : f32 to vector<16xf32>
    %scan3A = arith.constant 0 : i32
    %scan3A_4 = arith.constant 625 : i32
    %scan3A_5 = arith.addi %scan3A, %scan3A_4 : i32
    %scan3A_6 = arith.constant 1 : i32
    scf.for %scan3A_86 = %scan3A to %scan3A_5 step %scan3A_6  : i32 {
      %mul3A_87 = arith.constant 1 : i32
      %mul3A_88 = arith.muli %scan3A_86, %mul3A_87 : i32
      %add3A_89 = arith.constant 0 : i32
      %add3A_90 = arith.addi %add3A_89, %mul3A_88 : i32
      %mul3A_91 = arith.constant 16 : i32
      %mul3A_92 = arith.muli %add3A_90, %mul3A_91 : i32
      %swap3A = arith.constant 0 : i32
      %swap3A_93 = arith.index_cast %swap3A : i32 to index
      %swap3A_94 = arith.index_cast %mul3A_92 : i32 to index
      %swap3A_95 = tpu.vector_load %arg10[%swap3A_93, %swap3A_94] {strides = array<i32>} : memref<1x10000xf32, #tpu.memory_space<vmem>>, vector<16xf32>,
      tpu.vector_store %arg10[%swap3A_93, %swap3A_94], %broadcast_in_dim3A_3 {strides = array<i32>} : memref<1x10000xf32, #tpu.memory_space<vmem>>, vector<16xf32>,
    }
    %scan3A_7 = arith.constant 625 : i32
    %broadcast_in_dim3A_8 = arith.constant 0 : i32
    %broadcast_in_dim3A_9 = vector.broadcast %broadcast_in_dim3A_8 : i32 to vector<16xi32>
    %broadcast_in_dim3A_10 = arith.constant 1 : i32
    %broadcast_in_dim3A_11 = vector.broadcast %broadcast_in_dim3A_10 : i32 to vector<16xi32>
    %add3A_12 = arith.constant 0 : i32
    %add3A_13 = arith.addi %mul3A_2, %add3A_12 : i32
    %run_scoped3A = arith.constant 0 : i32
    "tpu.region"() ({
      %run_scoped3A_86 = tpu.sem_alloc : memref<!tpu.dma_semaphore, #tpu.memory_space<semaphore_mem>>
      %dma_start3A = tpu.memref_slice %arg2[%run_scoped3A, %add3A_13] : memref<2x320000xi32, #tpu.memory_space<hbm>> -> memref<1x2000xi32, #tpu.memory_space<hbm>>
      %dma_start3A_87 = tpu.memref_squeeze %dma_start3A : memref<1x2000xi32, #tpu.memory_space<hbm>> -> memref<2000xi32, #tpu.memory_space<hbm>>
      %dma_start3A_88 = tpu.memref_slice %arg2[%run_scoped3A, %add3A_13] : memref<2x320000xi32, #tpu.memory_space<hbm>> -> memref<1x2000xi32, #tpu.memory_space<hbm>>
      %dma_start3A_89 = tpu.memref_squeeze %dma_start3A_88 : memref<1x2000xi32, #tpu.memory_space<hbm>> -> memref<2000xi32, #tpu.memory_space<hbm>>
      tpu.enqueue_dma source(%dma_start3A_89 : memref<2000xi32, #tpu.memory_space<hbm>>) target(%arg6 : memref<2000xi32, #tpu.memory_space<vmem>>) target_semaphore(%run_scoped3A_86 : memref<!tpu.dma_semaphore, #tpu.memory_space<semaphore_mem>>)
      %dma_wait3A = tpu.memref_slice %arg2[%run_scoped3A, %add3A_13] : memref<2x320000xi32, #tpu.memory_space<hbm>> -> memref<1x2000xi32, #tpu.memory_space<hbm>>
      %dma_wait3A_90 = tpu.memref_squeeze %dma_wait3A : memref<1x2000xi32, #tpu.memory_space<hbm>> -> memref<2000xi32, #tpu.memory_space<hbm>>
      %dma_wait3A_91 = tpu.memref_slice %arg2[%run_scoped3A, %add3A_13] : memref<2x320000xi32, #tpu.memory_space<hbm>> -> memref<1x2000xi32, #tpu.memory_space<hbm>>
      %dma_wait3A_92 = tpu.memref_squeeze %dma_wait3A_91 : memref<1x2000xi32, #tpu.memory_space<hbm>> -> memref<2000xi32, #tpu.memory_space<hbm>>
      tpu.wait_dma2 semaphore(%run_scoped3A_86 : memref<!tpu.dma_semaphore, #tpu.memory_space<semaphore_mem>>) src(%dma_wait3A_92 : memref<2000xi32, #tpu.memory_space<hbm>>) dst(%arg6 : memref<2000xi32, #tpu.memory_space<vmem>>)
      tpu.yield
    }) : () -> ()
    %add3A_14 = arith.constant 0 : i32
    %add3A_15 = arith.addi %mul3A_2, %add3A_14 : i32
    %run_scoped3A_16 = arith.constant 1 : i32
    "tpu.region"() ({
      %run_scoped3A_86 = tpu.sem_alloc : memref<!tpu.dma_semaphore, #tpu.memory_space<semaphore_mem>>
      %dma_start3A = tpu.memref_slice %arg2[%run_scoped3A_16, %add3A_15] : memref<2x320000xi32, #tpu.memory_space<hbm>> -> memref<1x2000xi32, #tpu.memory_space<hbm>>
      %dma_start3A_87 = tpu.memref_squeeze %dma_start3A : memref<1x2000xi32, #tpu.memory_space<hbm>> -> memref<2000xi32, #tpu.memory_space<hbm>>
      %dma_start3A_88 = tpu.memref_slice %arg2[%run_scoped3A_16, %add3A_15] : memref<2x320000xi32, #tpu.memory_space<hbm>> -> memref<1x2000xi32, #tpu.memory_space<hbm>>
      %dma_start3A_89 = tpu.memref_squeeze %dma_start3A_88 : memref<1x2000xi32, #tpu.memory_space<hbm>> -> memref<2000xi32, #tpu.memory_space<hbm>>
      tpu.enqueue_dma source(%dma_start3A_89 : memref<2000xi32, #tpu.memory_space<hbm>>) target(%arg7 : memref<2000xi32, #tpu.memory_space<vmem>>) target_semaphore(%run_scoped3A_86 : memref<!tpu.dma_semaphore, #tpu.memory_space<semaphore_mem>>)
      %dma_wait3A = tpu.memref_slice %arg2[%run_scoped3A_16, %add3A_15] : memref<2x320000xi32, #tpu.memory_space<hbm>> -> memref<1x2000xi32, #tpu.memory_space<hbm>>
      %dma_wait3A_90 = tpu.memref_squeeze %dma_wait3A : memref<1x2000xi32, #tpu.memory_space<hbm>> -> memref<2000xi32, #tpu.memory_space<hbm>>
      %dma_wait3A_91 = tpu.memref_slice %arg2[%run_scoped3A_16, %add3A_15] : memref<2x320000xi32, #tpu.memory_space<hbm>> -> memref<1x2000xi32, #tpu.memory_space<hbm>>
      %dma_wait3A_92 = tpu.memref_squeeze %dma_wait3A_91 : memref<1x2000xi32, #tpu.memory_space<hbm>> -> memref<2000xi32, #tpu.memory_space<hbm>>
      tpu.wait_dma2 semaphore(%run_scoped3A_86 : memref<!tpu.dma_semaphore, #tpu.memory_space<semaphore_mem>>) src(%dma_wait3A_92 : memref<2000xi32, #tpu.memory_space<hbm>>) dst(%arg7 : memref<2000xi32, #tpu.memory_space<vmem>>)
      tpu.yield
    }) : () -> ()
    %scan3A_17 = arith.constant 0 : i32
    %scan3A_18 = arith.constant 125 : i32
    %scan3A_19 = arith.addi %scan3A_17, %scan3A_18 : i32
    %scan3A_20 = arith.constant 1 : i32
    scf.for %scan3A_86 = %scan3A_17 to %scan3A_19 step %scan3A_20  : i32 {
      %mul3A_87 = arith.constant 1 : i32
      %mul3A_88 = arith.muli %scan3A_86, %mul3A_87 : i32
      %add3A_89 = arith.constant 0 : i32
      %add3A_90 = arith.addi %add3A_89, %mul3A_88 : i32
      %mul3A_91 = arith.constant 16 : i32
      %mul3A_92 = arith.muli %add3A_90, %mul3A_91 : i32
      %get3A = arith.index_cast %mul3A_92 : i32 to index
      %get3A_93 = tpu.vector_load %arg6[%get3A] {strides = array<i32>} : memref<2000xi32, #tpu.memory_space<vmem>>, vector<16xi32>,
      %get3A_94 = arith.index_cast %mul3A_92 : i32 to index
      %get3A_95 = tpu.vector_load %arg7[%get3A_94] {strides = array<i32>} : memref<2000xi32, #tpu.memory_space<vmem>>, vector<16xi32>,
      %gather3A = tpu.vector_load_idx %arg9[%get3A_93, %broadcast_in_dim3A_9] : memref<10000x2xf32, #tpu.memory_space<vmem>>[vector<16xi32>, vector<16xi32>], vector<16xf32>,
      %gather3A_96 = tpu.vector_load_idx %arg9[%get3A_95, %broadcast_in_dim3A_11] : memref<10000x2xf32, #tpu.memory_space<vmem>>[vector<16xi32>, vector<16xi32>], vector<16xf32>,
      %add3A_97 = arith.addf %gather3A, %gather3A_96 : vector<16xf32>
      %ge3A = arith.constant 0.000000e+00 : f32
      %ge3A_98 = vector.broadcast %ge3A : f32 to vector<16xf32>
      %ge3A_99 = arith.cmpf oge, %add3A_97, %ge3A_98 : vector<16xf32>
      %mul3A_100 = arith.constant 0.00999999977 : f32
      %mul3A_101 = vector.broadcast %mul3A_100 : f32 to vector<16xf32>
      %mul3A_102 = arith.mulf %mul3A_101, %add3A_97 : vector<16xf32>
      %select_n3A = arith.select %ge3A_99, %add3A_97, %mul3A_102 : vector<16xi1>, vector<16xf32>
      %exp3A = math.exp %select_n3A : vector<16xf32>
      %shift_left3A = arith.constant 14 : i32
      %shift_left3A_103 = vector.broadcast %shift_left3A : i32 to vector<16xi32>
      %shift_left3A_104 = arith.shli %get3A_95, %shift_left3A_103 : vector<16xi32>
      %or3A = arith.ori %get3A_93, %shift_left3A_104 : vector<16xi32>
      %swap3A = arith.constant 0 : i32
      %swap3A_105 = arith.index_cast %swap3A : i32 to index
      %swap3A_106 = arith.index_cast %mul3A_92 : i32 to index
      %swap3A_107 = tpu.vector_load %arg8[%swap3A_105, %swap3A_106] {strides = array<i32>} : memref<2x2000xi32, #tpu.memory_space<vmem>>, vector<16xi32>,
      tpu.vector_store %arg8[%swap3A_105, %swap3A_106], %or3A {strides = array<i32>} : memref<2x2000xi32, #tpu.memory_space<vmem>>, vector<16xi32>,
      %bitcast3A = vector.bitcast %exp3A : vector<16xf32> to vector<16xi32>
      %swap3A_108 = arith.constant 1 : i32
      %swap3A_109 = arith.index_cast %swap3A_108 : i32 to index
      %swap3A_110 = arith.index_cast %mul3A_92 : i32 to index
      %swap3A_111 = tpu.vector_load %arg8[%swap3A_109, %swap3A_110] {strides = array<i32>} : memref<2x2000xi32, #tpu.memory_space<vmem>>, vector<16xi32>,
      tpu.vector_store %arg8[%swap3A_109, %swap3A_110], %bitcast3A {strides = array<i32>} : memref<2x2000xi32, #tpu.memory_space<vmem>>, vector<16xi32>,
      tpu.vector_store_idx %arg10[%broadcast_in_dim3A_9, %get3A_95], %exp3A {add = true} : memref<1x10000xf32, #tpu.memory_space<vmem>>[vector<16xi32>, vector<16xi32>], vector<16xf32>,
    }
    %scan3A_21 = arith.constant 125 : i32
    %mul3A_22 = arith.constant 5 : i32
    %mul3A_23 = arith.muli %add3A, %mul3A_22 : i32
    %add3A_24 = arith.constant 0 : i32
    %add3A_25 = arith.addi %mul3A_23, %add3A_24 : i32
    "tpu.region"() ({
      %run_scoped3A_86 = tpu.sem_alloc : memref<!tpu.dma_semaphore, #tpu.memory_space<semaphore_mem>>
      %dma_start3A = arith.constant 0 : i32
      %dma_start3A_87 = arith.constant 0 : i32
      %dma_start3A_88 = tpu.memref_slice %arg4[%add3A_25, %dma_start3A, %dma_start3A_87] : memref<160x2x2000xi32, #tpu.memory_space<hbm>> -> memref<1x2x2000xi32, #tpu.memory_space<hbm>>
      %dma_start3A_89 = tpu.memref_squeeze %dma_start3A_88 : memref<1x2x2000xi32, #tpu.memory_space<hbm>> -> memref<2x2000xi32, #tpu.memory_space<hbm>>
      %dma_start3A_90 = arith.constant 0 : i32
      %dma_start3A_91 = arith.constant 0 : i32
      %dma_start3A_92 = tpu.memref_slice %arg4[%add3A_25, %dma_start3A_90, %dma_start3A_91] : memref<160x2x2000xi32, #tpu.memory_space<hbm>> -> memref<1x2x2000xi32, #tpu.memory_space<hbm>>
      %dma_start3A_93 = tpu.memref_squeeze %dma_start3A_92 : memref<1x2x2000xi32, #tpu.memory_space<hbm>> -> memref<2x2000xi32, #tpu.memory_space<hbm>>
      tpu.enqueue_dma source(%arg8 : memref<2x2000xi32, #tpu.memory_space<vmem>>) target(%dma_start3A_93 : memref<2x2000xi32, #tpu.memory_space<hbm>>) target_semaphore(%run_scoped3A_86 : memref<!tpu.dma_semaphore, #tpu.memory_space<semaphore_mem>>)
      %dma_wait3A = arith.constant 0 : i32
      %dma_wait3A_94 = arith.constant 0 : i32
      %dma_wait3A_95 = tpu.memref_slice %arg4[%add3A_25, %dma_wait3A, %dma_wait3A_94] : memref<160x2x2000xi32, #tpu.memory_space<hbm>> -> memref<1x2x2000xi32, #tpu.memory_space<hbm>>
      %dma_wait3A_96 = tpu.memref_squeeze %dma_wait3A_95 : memref<1x2x2000xi32, #tpu.memory_space<hbm>> -> memref<2x2000xi32, #tpu.memory_space<hbm>>
      %dma_wait3A_97 = arith.constant 0 : i32
      %dma_wait3A_98 = arith.constant 0 : i32
      %dma_wait3A_99 = tpu.memref_slice %arg4[%add3A_25, %dma_wait3A_97, %dma_wait3A_98] : memref<160x2x2000xi32, #tpu.memory_space<hbm>> -> memref<1x2x2000xi32, #tpu.memory_space<hbm>>
      %dma_wait3A_100 = tpu.memref_squeeze %dma_wait3A_99 : memref<1x2x2000xi32, #tpu.memory_space<hbm>> -> memref<2x2000xi32, #tpu.memory_space<hbm>>
      tpu.wait_dma2 semaphore(%run_scoped3A_86 : memref<!tpu.dma_semaphore, #tpu.memory_space<semaphore_mem>>) src(%arg8 : memref<2x2000xi32, #tpu.memory_space<vmem>>) dst(%dma_wait3A_100 : memref<2x2000xi32, #tpu.memory_space<hbm>>)
      tpu.yield
    }) : () -> ()
    %add3A_26 = arith.constant 2000 : i32
    %add3A_27 = arith.addi %mul3A_2, %add3A_26 : i32
    %run_scoped3A_28 = arith.constant 0 : i32
    "tpu.region"() ({
      %run_scoped3A_86 = tpu.sem_alloc : memref<!tpu.dma_semaphore, #tpu.memory_space<semaphore_mem>>
      %dma_start3A = tpu.memref_slice %arg2[%run_scoped3A_28, %add3A_27] : memref<2x320000xi32, #tpu.memory_space<hbm>> -> memref<1x2000xi32, #tpu.memory_space<hbm>>
      %dma_start3A_87 = tpu.memref_squeeze %dma_start3A : memref<1x2000xi32, #tpu.memory_space<hbm>> -> memref<2000xi32, #tpu.memory_space<hbm>>
      %dma_start3A_88 = tpu.memref_slice %arg2[%run_scoped3A_28, %add3A_27] : memref<2x320000xi32, #tpu.memory_space<hbm>> -> memref<1x2000xi32, #tpu.memory_space<hbm>>
      %dma_start3A_89 = tpu.memref_squeeze %dma_start3A_88 : memref<1x2000xi32, #tpu.memory_space<hbm>> -> memref<2000xi32, #tpu.memory_space<hbm>>
      tpu.enqueue_dma source(%dma_start3A_89 : memref<2000xi32, #tpu.memory_space<hbm>>) target(%arg6 : memref<2000xi32, #tpu.memory_space<vmem>>) target_semaphore(%run_scoped3A_86 : memref<!tpu.dma_semaphore, #tpu.memory_space<semaphore_mem>>)
      %dma_wait3A = tpu.memref_slice %arg2[%run_scoped3A_28, %add3A_27] : memref<2x320000xi32, #tpu.memory_space<hbm>> -> memref<1x2000xi32, #tpu.memory_space<hbm>>
      %dma_wait3A_90 = tpu.memref_squeeze %dma_wait3A : memref<1x2000xi32, #tpu.memory_space<hbm>> -> memref<2000xi32, #tpu.memory_space<hbm>>
      %dma_wait3A_91 = tpu.memref_slice %arg2[%run_scoped3A_28, %add3A_27] : memref<2x320000xi32, #tpu.memory_space<hbm>> -> memref<1x2000xi32, #tpu.memory_space<hbm>>
      %dma_wait3A_92 = tpu.memref_squeeze %dma_wait3A_91 : memref<1x2000xi32, #tpu.memory_space<hbm>> -> memref<2000xi32, #tpu.memory_space<hbm>>
      tpu.wait_dma2 semaphore(%run_scoped3A_86 : memref<!tpu.dma_semaphore, #tpu.memory_space<semaphore_mem>>) src(%dma_wait3A_92 : memref<2000xi32, #tpu.memory_space<hbm>>) dst(%arg6 : memref<2000xi32, #tpu.memory_space<vmem>>)
      tpu.yield
    }) : () -> ()
    %add3A_29 = arith.constant 2000 : i32
    %add3A_30 = arith.addi %mul3A_2, %add3A_29 : i32
    %run_scoped3A_31 = arith.constant 1 : i32
    "tpu.region"() ({
      %run_scoped3A_86 = tpu.sem_alloc : memref<!tpu.dma_semaphore, #tpu.memory_space<semaphore_mem>>
      %dma_start3A = tpu.memref_slice %arg2[%run_scoped3A_31, %add3A_30] : memref<2x320000xi32, #tpu.memory_space<hbm>> -> memref<1x2000xi32, #tpu.memory_space<hbm>>
      %dma_start3A_87 = tpu.memref_squeeze %dma_start3A : memref<1x2000xi32, #tpu.memory_space<hbm>> -> memref<2000xi32, #tpu.memory_space<hbm>>
      %dma_start3A_88 = tpu.memref_slice %arg2[%run_scoped3A_31, %add3A_30] : memref<2x320000xi32, #tpu.memory_space<hbm>> -> memref<1x2000xi32, #tpu.memory_space<hbm>>
      %dma_start3A_89 = tpu.memref_squeeze %dma_start3A_88 : memref<1x2000xi32, #tpu.memory_space<hbm>> -> memref<2000xi32, #tpu.memory_space<hbm>>
      tpu.enqueue_dma source(%dma_start3A_89 : memref<2000xi32, #tpu.memory_space<hbm>>) target(%arg7 : memref<2000xi32, #tpu.memory_space<vmem>>) target_semaphore(%run_scoped3A_86 : memref<!tpu.dma_semaphore, #tpu.memory_space<semaphore_mem>>)
      %dma_wait3A = tpu.memref_slice %arg2[%run_scoped3A_31, %add3A_30] : memref<2x320000xi32, #tpu.memory_space<hbm>> -> memref<1x2000xi32, #tpu.memory_space<hbm>>
      %dma_wait3A_90 = tpu.memref_squeeze %dma_wait3A : memref<1x2000xi32, #tpu.memory_space<hbm>> -> memref<2000xi32, #tpu.memory_space<hbm>>
      %dma_wait3A_91 = tpu.memref_slice %arg2[%run_scoped3A_31, %add3A_30] : memref<2x320000xi32, #tpu.memory_space<hbm>> -> memref<1x2000xi32, #tpu.memory_space<hbm>>
      %dma_wait3A_92 = tpu.memref_squeeze %dma_wait3A_91 : memref<1x2000xi32, #tpu.memory_space<hbm>> -> memref<2000xi32, #tpu.memory_space<hbm>>
      tpu.wait_dma2 semaphore(%run_scoped3A_86 : memref<!tpu.dma_semaphore, #tpu.memory_space<semaphore_mem>>) src(%dma_wait3A_92 : memref<2000xi32, #tpu.memory_space<hbm>>) dst(%arg7 : memref<2000xi32, #tpu.memory_space<vmem>>)
      tpu.yield
    }) : () -> ()
    %scan3A_32 = arith.constant 0 : i32
    %scan3A_33 = arith.constant 125 : i32
    %scan3A_34 = arith.addi %scan3A_32, %scan3A_33 : i32
    %scan3A_35 = arith.constant 1 : i32
    scf.for %scan3A_86 = %scan3A_32 to %scan3A_34 step %scan3A_35  : i32 {
      %mul3A_87 = arith.constant 1 : i32
      %mul3A_88 = arith.muli %scan3A_86, %mul3A_87 : i32
      %add3A_89 = arith.constant 0 : i32
      %add3A_90 = arith.addi %add3A_89, %mul3A_88 : i32
      %mul3A_91 = arith.constant 16 : i32
      %mul3A_92 = arith.muli %add3A_90, %mul3A_91 : i32
      %get3A = arith.index_cast %mul3A_92 : i32 to index
      %get3A_93 = tpu.vector_load %arg6[%get3A] {strides = array<i32>} : memref<2000xi32, #tpu.memory_space<vmem>>, vector<16xi32>,
      %get3A_94 = arith.index_cast %mul3A_92 : i32 to index
      %get3A_95 = tpu.vector_load %arg7[%get3A_94] {strides = array<i32>} : memref<2000xi32, #tpu.memory_space<vmem>>, vector<16xi32>,
      %gather3A = tpu.vector_load_idx %arg9[%get3A_93, %broadcast_in_dim3A_9] : memref<10000x2xf32, #tpu.memory_space<vmem>>[vector<16xi32>, vector<16xi32>], vector<16xf32>,
      %gather3A_96 = tpu.vector_load_idx %arg9[%get3A_95, %broadcast_in_dim3A_11] : memref<10000x2xf32, #tpu.memory_space<vmem>>[vector<16xi32>, vector<16xi32>], vector<16xf32>,
      %add3A_97 = arith.addf %gather3A, %gather3A_96 : vector<16xf32>
      %ge3A = arith.constant 0.000000e+00 : f32
      %ge3A_98 = vector.broadcast %ge3A : f32 to vector<16xf32>
      %ge3A_99 = arith.cmpf oge, %add3A_97, %ge3A_98 : vector<16xf32>
      %mul3A_100 = arith.constant 0.00999999977 : f32
      %mul3A_101 = vector.broadcast %mul3A_100 : f32 to vector<16xf32>
      %mul3A_102 = arith.mulf %mul3A_101, %add3A_97 : vector<16xf32>
      %select_n3A = arith.select %ge3A_99, %add3A_97, %mul3A_102 : vector<16xi1>, vector<16xf32>
      %exp3A = math.exp %select_n3A : vector<16xf32>
      %shift_left3A = arith.constant 14 : i32
      %shift_left3A_103 = vector.broadcast %shift_left3A : i32 to vector<16xi32>
      %shift_left3A_104 = arith.shli %get3A_95, %shift_left3A_103 : vector<16xi32>
      %or3A = arith.ori %get3A_93, %shift_left3A_104 : vector<16xi32>
      %swap3A = arith.constant 0 : i32
      %swap3A_105 = arith.index_cast %swap3A : i32 to index
      %swap3A_106 = arith.index_cast %mul3A_92 : i32 to index
      %swap3A_107 = tpu.vector_load %arg8[%swap3A_105, %swap3A_106] {strides = array<i32>} : memref<2x2000xi32, #tpu.memory_space<vmem>>, vector<16xi32>,
      tpu.vector_store %arg8[%swap3A_105, %swap3A_106], %or3A {strides = array<i32>} : memref<2x2000xi32, #tpu.memory_space<vmem>>, vector<16xi32>,
      %bitcast3A = vector.bitcast %exp3A : vector<16xf32> to vector<16xi32>
      %swap3A_108 = arith.constant 1 : i32
      %swap3A_109 = arith.index_cast %swap3A_108 : i32 to index
      %swap3A_110 = arith.index_cast %mul3A_92 : i32 to index
      %swap3A_111 = tpu.vector_load %arg8[%swap3A_109, %swap3A_110] {strides = array<i32>} : memref<2x2000xi32, #tpu.memory_space<vmem>>, vector<16xi32>,
      tpu.vector_store %arg8[%swap3A_109, %swap3A_110], %bitcast3A {strides = array<i32>} : memref<2x2000xi32, #tpu.memory_space<vmem>>, vector<16xi32>,
      tpu.vector_store_idx %arg10[%broadcast_in_dim3A_9, %get3A_95], %exp3A {add = true} : memref<1x10000xf32, #tpu.memory_space<vmem>>[vector<16xi32>, vector<16xi32>], vector<16xf32>,
    }
    %scan3A_36 = arith.constant 125 : i32
    %mul3A_37 = arith.constant 5 : i32
    %mul3A_38 = arith.muli %add3A, %mul3A_37 : i32
    %add3A_39 = arith.constant 1 : i32
    %add3A_40 = arith.addi %mul3A_38, %add3A_39 : i32
    "tpu.region"() ({
      %run_scoped3A_86 = tpu.sem_alloc : memref<!tpu.dma_semaphore, #tpu.memory_space<semaphore_mem>>
      %dma_start3A = arith.constant 0 : i32
      %dma_start3A_87 = arith.constant 0 : i32
      %dma_start3A_88 = tpu.memref_slice %arg4[%add3A_40, %dma_start3A, %dma_start3A_87] : memref<160x2x2000xi32, #tpu.memory_space<hbm>> -> memref<1x2x2000xi32, #tpu.memory_space<hbm>>
      %dma_start3A_89 = tpu.memref_squeeze %dma_start3A_88 : memref<1x2x2000xi32, #tpu.memory_space<hbm>> -> memref<2x2000xi32, #tpu.memory_space<hbm>>
      %dma_start3A_90 = arith.constant 0 : i32
      %dma_start3A_91 = arith.constant 0 : i32
      %dma_start3A_92 = tpu.memref_slice %arg4[%add3A_40, %dma_start3A_90, %dma_start3A_91] : memref<160x2x2000xi32, #tpu.memory_space<hbm>> -> memref<1x2x2000xi32, #tpu.memory_space<hbm>>
      %dma_start3A_93 = tpu.memref_squeeze %dma_start3A_92 : memref<1x2x2000xi32, #tpu.memory_space<hbm>> -> memref<2x2000xi32, #tpu.memory_space<hbm>>
      tpu.enqueue_dma source(%arg8 : memref<2x2000xi32, #tpu.memory_space<vmem>>) target(%dma_start3A_93 : memref<2x2000xi32, #tpu.memory_space<hbm>>) target_semaphore(%run_scoped3A_86 : memref<!tpu.dma_semaphore, #tpu.memory_space<semaphore_mem>>)
      %dma_wait3A = arith.constant 0 : i32
      %dma_wait3A_94 = arith.constant 0 : i32
      %dma_wait3A_95 = tpu.memref_slice %arg4[%add3A_40, %dma_wait3A, %dma_wait3A_94] : memref<160x2x2000xi32, #tpu.memory_space<hbm>> -> memref<1x2x2000xi32, #tpu.memory_space<hbm>>
      %dma_wait3A_96 = tpu.memref_squeeze %dma_wait3A_95 : memref<1x2x2000xi32, #tpu.memory_space<hbm>> -> memref<2x2000xi32, #tpu.memory_space<hbm>>
      %dma_wait3A_97 = arith.constant 0 : i32
      %dma_wait3A_98 = arith.constant 0 : i32
      %dma_wait3A_99 = tpu.memref_slice %arg4[%add3A_40, %dma_wait3A_97, %dma_wait3A_98] : memref<160x2x2000xi32, #tpu.memory_space<hbm>> -> memref<1x2x2000xi32, #tpu.memory_space<hbm>>
      %dma_wait3A_100 = tpu.memref_squeeze %dma_wait3A_99 : memref<1x2x2000xi32, #tpu.memory_space<hbm>> -> memref<2x2000xi32, #tpu.memory_space<hbm>>
      tpu.wait_dma2 semaphore(%run_scoped3A_86 : memref<!tpu.dma_semaphore, #tpu.memory_space<semaphore_mem>>) src(%arg8 : memref<2x2000xi32, #tpu.memory_space<vmem>>) dst(%dma_wait3A_100 : memref<2x2000xi32, #tpu.memory_space<hbm>>)
      tpu.yield
    }) : () -> ()
    %add3A_41 = arith.constant 4000 : i32
    %add3A_42 = arith.addi %mul3A_2, %add3A_41 : i32
    %run_scoped3A_43 = arith.constant 0 : i32
    "tpu.region"() ({
      %run_scoped3A_86 = tpu.sem_alloc : memref<!tpu.dma_semaphore, #tpu.memory_space<semaphore_mem>>
      %dma_start3A = tpu.memref_slice %arg2[%run_scoped3A_43, %add3A_42] : memref<2x320000xi32, #tpu.memory_space<hbm>> -> memref<1x2000xi32, #tpu.memory_space<hbm>>
      %dma_start3A_87 = tpu.memref_squeeze %dma_start3A : memref<1x2000xi32, #tpu.memory_space<hbm>> -> memref<2000xi32, #tpu.memory_space<hbm>>
      %dma_start3A_88 = tpu.memref_slice %arg2[%run_scoped3A_43, %add3A_42] : memref<2x320000xi32, #tpu.memory_space<hbm>> -> memref<1x2000xi32, #tpu.memory_space<hbm>>
      %dma_start3A_89 = tpu.memref_squeeze %dma_start3A_88 : memref<1x2000xi32, #tpu.memory_space<hbm>> -> memref<2000xi32, #tpu.memory_space<hbm>>
      tpu.enqueue_dma source(%dma_start3A_89 : memref<2000xi32, #tpu.memory_space<hbm>>) target(%arg6 : memref<2000xi32, #tpu.memory_space<vmem>>) target_semaphore(%run_scoped3A_86 : memref<!tpu.dma_semaphore, #tpu.memory_space<semaphore_mem>>)
      %dma_wait3A = tpu.memref_slice %arg2[%run_scoped3A_43, %add3A_42] : memref<2x320000xi32, #tpu.memory_space<hbm>> -> memref<1x2000xi32, #tpu.memory_space<hbm>>
      %dma_wait3A_90 = tpu.memref_squeeze %dma_wait3A : memref<1x2000xi32, #tpu.memory_space<hbm>> -> memref<2000xi32, #tpu.memory_space<hbm>>
      %dma_wait3A_91 = tpu.memref_slice %arg2[%run_scoped3A_43, %add3A_42] : memref<2x320000xi32, #tpu.memory_space<hbm>> -> memref<1x2000xi32, #tpu.memory_space<hbm>>
      %dma_wait3A_92 = tpu.memref_squeeze %dma_wait3A_91 : memref<1x2000xi32, #tpu.memory_space<hbm>> -> memref<2000xi32, #tpu.memory_space<hbm>>
      tpu.wait_dma2 semaphore(%run_scoped3A_86 : memref<!tpu.dma_semaphore, #tpu.memory_space<semaphore_mem>>) src(%dma_wait3A_92 : memref<2000xi32, #tpu.memory_space<hbm>>) dst(%arg6 : memref<2000xi32, #tpu.memory_space<vmem>>)
      tpu.yield
    }) : () -> ()
    %add3A_44 = arith.constant 4000 : i32
    %add3A_45 = arith.addi %mul3A_2, %add3A_44 : i32
    %run_scoped3A_46 = arith.constant 1 : i32
    "tpu.region"() ({
      %run_scoped3A_86 = tpu.sem_alloc : memref<!tpu.dma_semaphore, #tpu.memory_space<semaphore_mem>>
      %dma_start3A = tpu.memref_slice %arg2[%run_scoped3A_46, %add3A_45] : memref<2x320000xi32, #tpu.memory_space<hbm>> -> memref<1x2000xi32, #tpu.memory_space<hbm>>
      %dma_start3A_87 = tpu.memref_squeeze %dma_start3A : memref<1x2000xi32, #tpu.memory_space<hbm>> -> memref<2000xi32, #tpu.memory_space<hbm>>
      %dma_start3A_88 = tpu.memref_slice %arg2[%run_scoped3A_46, %add3A_45] : memref<2x320000xi32, #tpu.memory_space<hbm>> -> memref<1x2000xi32, #tpu.memory_space<hbm>>
      %dma_start3A_89 = tpu.memref_squeeze %dma_start3A_88 : memref<1x2000xi32, #tpu.memory_space<hbm>> -> memref<2000xi32, #tpu.memory_space<hbm>>
      tpu.enqueue_dma source(%dma_start3A_89 : memref<2000xi32, #tpu.memory_space<hbm>>) target(%arg7 : memref<2000xi32, #tpu.memory_space<vmem>>) target_semaphore(%run_scoped3A_86 : memref<!tpu.dma_semaphore, #tpu.memory_space<semaphore_mem>>)
      %dma_wait3A = tpu.memref_slice %arg2[%run_scoped3A_46, %add3A_45] : memref<2x320000xi32, #tpu.memory_space<hbm>> -> memref<1x2000xi32, #tpu.memory_space<hbm>>
      %dma_wait3A_90 = tpu.memref_squeeze %dma_wait3A : memref<1x2000xi32, #tpu.memory_space<hbm>> -> memref<2000xi32, #tpu.memory_space<hbm>>
      %dma_wait3A_91 = tpu.memref_slice %arg2[%run_scoped3A_46, %add3A_45] : memref<2x320000xi32, #tpu.memory_space<hbm>> -> memref<1x2000xi32, #tpu.memory_space<hbm>>
      %dma_wait3A_92 = tpu.memref_squeeze %dma_wait3A_91 : memref<1x2000xi32, #tpu.memory_space<hbm>> -> memref<2000xi32, #tpu.memory_space<hbm>>
      tpu.wait_dma2 semaphore(%run_scoped3A_86 : memref<!tpu.dma_semaphore, #tpu.memory_space<semaphore_mem>>) src(%dma_wait3A_92 : memref<2000xi32, #tpu.memory_space<hbm>>) dst(%arg7 : memref<2000xi32, #tpu.memory_space<vmem>>)
      tpu.yield
    }) : () -> ()
    %scan3A_47 = arith.constant 0 : i32
    %scan3A_48 = arith.constant 125 : i32
    %scan3A_49 = arith.addi %scan3A_47, %scan3A_48 : i32
    %scan3A_50 = arith.constant 1 : i32
    scf.for %scan3A_86 = %scan3A_47 to %scan3A_49 step %scan3A_50  : i32 {
      %mul3A_87 = arith.constant 1 : i32
      %mul3A_88 = arith.muli %scan3A_86, %mul3A_87 : i32
      %add3A_89 = arith.constant 0 : i32
      %add3A_90 = arith.addi %add3A_89, %mul3A_88 : i32
      %mul3A_91 = arith.constant 16 : i32
      %mul3A_92 = arith.muli %add3A_90, %mul3A_91 : i32
      %get3A = arith.index_cast %mul3A_92 : i32 to index
      %get3A_93 = tpu.vector_load %arg6[%get3A] {strides = array<i32>} : memref<2000xi32, #tpu.memory_space<vmem>>, vector<16xi32>,
      %get3A_94 = arith.index_cast %mul3A_92 : i32 to index
      %get3A_95 = tpu.vector_load %arg7[%get3A_94] {strides = array<i32>} : memref<2000xi32, #tpu.memory_space<vmem>>, vector<16xi32>,
      %gather3A = tpu.vector_load_idx %arg9[%get3A_93, %broadcast_in_dim3A_9] : memref<10000x2xf32, #tpu.memory_space<vmem>>[vector<16xi32>, vector<16xi32>], vector<16xf32>,
      %gather3A_96 = tpu.vector_load_idx %arg9[%get3A_95, %broadcast_in_dim3A_11] : memref<10000x2xf32, #tpu.memory_space<vmem>>[vector<16xi32>, vector<16xi32>], vector<16xf32>,
      %add3A_97 = arith.addf %gather3A, %gather3A_96 : vector<16xf32>
      %ge3A = arith.constant 0.000000e+00 : f32
      %ge3A_98 = vector.broadcast %ge3A : f32 to vector<16xf32>
      %ge3A_99 = arith.cmpf oge, %add3A_97, %ge3A_98 : vector<16xf32>
      %mul3A_100 = arith.constant 0.00999999977 : f32
      %mul3A_101 = vector.broadcast %mul3A_100 : f32 to vector<16xf32>
      %mul3A_102 = arith.mulf %mul3A_101, %add3A_97 : vector<16xf32>
      %select_n3A = arith.select %ge3A_99, %add3A_97, %mul3A_102 : vector<16xi1>, vector<16xf32>
      %exp3A = math.exp %select_n3A : vector<16xf32>
      %shift_left3A = arith.constant 14 : i32
      %shift_left3A_103 = vector.broadcast %shift_left3A : i32 to vector<16xi32>
      %shift_left3A_104 = arith.shli %get3A_95, %shift_left3A_103 : vector<16xi32>
      %or3A = arith.ori %get3A_93, %shift_left3A_104 : vector<16xi32>
      %swap3A = arith.constant 0 : i32
      %swap3A_105 = arith.index_cast %swap3A : i32 to index
      %swap3A_106 = arith.index_cast %mul3A_92 : i32 to index
      %swap3A_107 = tpu.vector_load %arg8[%swap3A_105, %swap3A_106] {strides = array<i32>} : memref<2x2000xi32, #tpu.memory_space<vmem>>, vector<16xi32>,
      tpu.vector_store %arg8[%swap3A_105, %swap3A_106], %or3A {strides = array<i32>} : memref<2x2000xi32, #tpu.memory_space<vmem>>, vector<16xi32>,
      %bitcast3A = vector.bitcast %exp3A : vector<16xf32> to vector<16xi32>
      %swap3A_108 = arith.constant 1 : i32
      %swap3A_109 = arith.index_cast %swap3A_108 : i32 to index
      %swap3A_110 = arith.index_cast %mul3A_92 : i32 to index
      %swap3A_111 = tpu.vector_load %arg8[%swap3A_109, %swap3A_110] {strides = array<i32>} : memref<2x2000xi32, #tpu.memory_space<vmem>>, vector<16xi32>,
      tpu.vector_store %arg8[%swap3A_109, %swap3A_110], %bitcast3A {strides = array<i32>} : memref<2x2000xi32, #tpu.memory_space<vmem>>, vector<16xi32>,
      tpu.vector_store_idx %arg10[%broadcast_in_dim3A_9, %get3A_95], %exp3A {add = true} : memref<1x10000xf32, #tpu.memory_space<vmem>>[vector<16xi32>, vector<16xi32>], vector<16xf32>,
    }
    %scan3A_51 = arith.constant 125 : i32
    %mul3A_52 = arith.constant 5 : i32
    %mul3A_53 = arith.muli %add3A, %mul3A_52 : i32
    %add3A_54 = arith.constant 2 : i32
    %add3A_55 = arith.addi %mul3A_53, %add3A_54 : i32
    "tpu.region"() ({
      %run_scoped3A_86 = tpu.sem_alloc : memref<!tpu.dma_semaphore, #tpu.memory_space<semaphore_mem>>
      %dma_start3A = arith.constant 0 : i32
      %dma_start3A_87 = arith.constant 0 : i32
      %dma_start3A_88 = tpu.memref_slice %arg4[%add3A_55, %dma_start3A, %dma_start3A_87] : memref<160x2x2000xi32, #tpu.memory_space<hbm>> -> memref<1x2x2000xi32, #tpu.memory_space<hbm>>
      %dma_start3A_89 = tpu.memref_squeeze %dma_start3A_88 : memref<1x2x2000xi32, #tpu.memory_space<hbm>> -> memref<2x2000xi32, #tpu.memory_space<hbm>>
      %dma_start3A_90 = arith.constant 0 : i32
      %dma_start3A_91 = arith.constant 0 : i32
      %dma_start3A_92 = tpu.memref_slice %arg4[%add3A_55, %dma_start3A_90, %dma_start3A_91] : memref<160x2x2000xi32, #tpu.memory_space<hbm>> -> memref<1x2x2000xi32, #tpu.memory_space<hbm>>
      %dma_start3A_93 = tpu.memref_squeeze %dma_start3A_92 : memref<1x2x2000xi32, #tpu.memory_space<hbm>> -> memref<2x2000xi32, #tpu.memory_space<hbm>>
      tpu.enqueue_dma source(%arg8 : memref<2x2000xi32, #tpu.memory_space<vmem>>) target(%dma_start3A_93 : memref<2x2000xi32, #tpu.memory_space<hbm>>) target_semaphore(%run_scoped3A_86 : memref<!tpu.dma_semaphore, #tpu.memory_space<semaphore_mem>>)
      %dma_wait3A = arith.constant 0 : i32
      %dma_wait3A_94 = arith.constant 0 : i32
      %dma_wait3A_95 = tpu.memref_slice %arg4[%add3A_55, %dma_wait3A, %dma_wait3A_94] : memref<160x2x2000xi32, #tpu.memory_space<hbm>> -> memref<1x2x2000xi32, #tpu.memory_space<hbm>>
      %dma_wait3A_96 = tpu.memref_squeeze %dma_wait3A_95 : memref<1x2x2000xi32, #tpu.memory_space<hbm>> -> memref<2x2000xi32, #tpu.memory_space<hbm>>
      %dma_wait3A_97 = arith.constant 0 : i32
      %dma_wait3A_98 = arith.constant 0 : i32
      %dma_wait3A_99 = tpu.memref_slice %arg4[%add3A_55, %dma_wait3A_97, %dma_wait3A_98] : memref<160x2x2000xi32, #tpu.memory_space<hbm>> -> memref<1x2x2000xi32, #tpu.memory_space<hbm>>
      %dma_wait3A_100 = tpu.memref_squeeze %dma_wait3A_99 : memref<1x2x2000xi32, #tpu.memory_space<hbm>> -> memref<2x2000xi32, #tpu.memory_space<hbm>>
      tpu.wait_dma2 semaphore(%run_scoped3A_86 : memref<!tpu.dma_semaphore, #tpu.memory_space<semaphore_mem>>) src(%arg8 : memref<2x2000xi32, #tpu.memory_space<vmem>>) dst(%dma_wait3A_100 : memref<2x2000xi32, #tpu.memory_space<hbm>>)
      tpu.yield
    }) : () -> ()
    %add3A_56 = arith.constant 6000 : i32
    %add3A_57 = arith.addi %mul3A_2, %add3A_56 : i32
    %run_scoped3A_58 = arith.constant 0 : i32
    "tpu.region"() ({
      %run_scoped3A_86 = tpu.sem_alloc : memref<!tpu.dma_semaphore, #tpu.memory_space<semaphore_mem>>
      %dma_start3A = tpu.memref_slice %arg2[%run_scoped3A_58, %add3A_57] : memref<2x320000xi32, #tpu.memory_space<hbm>> -> memref<1x2000xi32, #tpu.memory_space<hbm>>
      %dma_start3A_87 = tpu.memref_squeeze %dma_start3A : memref<1x2000xi32, #tpu.memory_space<hbm>> -> memref<2000xi32, #tpu.memory_space<hbm>>
      %dma_start3A_88 = tpu.memref_slice %arg2[%run_scoped3A_58, %add3A_57] : memref<2x320000xi32, #tpu.memory_space<hbm>> -> memref<1x2000xi32, #tpu.memory_space<hbm>>
      %dma_start3A_89 = tpu.memref_squeeze %dma_start3A_88 : memref<1x2000xi32, #tpu.memory_space<hbm>> -> memref<2000xi32, #tpu.memory_space<hbm>>
      tpu.enqueue_dma source(%dma_start3A_89 : memref<2000xi32, #tpu.memory_space<hbm>>) target(%arg6 : memref<2000xi32, #tpu.memory_space<vmem>>) target_semaphore(%run_scoped3A_86 : memref<!tpu.dma_semaphore, #tpu.memory_space<semaphore_mem>>)
      %dma_wait3A = tpu.memref_slice %arg2[%run_scoped3A_58, %add3A_57] : memref<2x320000xi32, #tpu.memory_space<hbm>> -> memref<1x2000xi32, #tpu.memory_space<hbm>>
      %dma_wait3A_90 = tpu.memref_squeeze %dma_wait3A : memref<1x2000xi32, #tpu.memory_space<hbm>> -> memref<2000xi32, #tpu.memory_space<hbm>>
      %dma_wait3A_91 = tpu.memref_slice %arg2[%run_scoped3A_58, %add3A_57] : memref<2x320000xi32, #tpu.memory_space<hbm>> -> memref<1x2000xi32, #tpu.memory_space<hbm>>
      %dma_wait3A_92 = tpu.memref_squeeze %dma_wait3A_91 : memref<1x2000xi32, #tpu.memory_space<hbm>> -> memref<2000xi32, #tpu.memory_space<hbm>>
      tpu.wait_dma2 semaphore(%run_scoped3A_86 : memref<!tpu.dma_semaphore, #tpu.memory_space<semaphore_mem>>) src(%dma_wait3A_92 : memref<2000xi32, #tpu.memory_space<hbm>>) dst(%arg6 : memref<2000xi32, #tpu.memory_space<vmem>>)
      tpu.yield
    }) : () -> ()
    %add3A_59 = arith.constant 6000 : i32
    %add3A_60 = arith.addi %mul3A_2, %add3A_59 : i32
    %run_scoped3A_61 = arith.constant 1 : i32
    "tpu.region"() ({
      %run_scoped3A_86 = tpu.sem_alloc : memref<!tpu.dma_semaphore, #tpu.memory_space<semaphore_mem>>
      %dma_start3A = tpu.memref_slice %arg2[%run_scoped3A_61, %add3A_60] : memref<2x320000xi32, #tpu.memory_space<hbm>> -> memref<1x2000xi32, #tpu.memory_space<hbm>>
      %dma_start3A_87 = tpu.memref_squeeze %dma_start3A : memref<1x2000xi32, #tpu.memory_space<hbm>> -> memref<2000xi32, #tpu.memory_space<hbm>>
      %dma_start3A_88 = tpu.memref_slice %arg2[%run_scoped3A_61, %add3A_60] : memref<2x320000xi32, #tpu.memory_space<hbm>> -> memref<1x2000xi32, #tpu.memory_space<hbm>>
      %dma_start3A_89 = tpu.memref_squeeze %dma_start3A_88 : memref<1x2000xi32, #tpu.memory_space<hbm>> -> memref<2000xi32, #tpu.memory_space<hbm>>
      tpu.enqueue_dma source(%dma_start3A_89 : memref<2000xi32, #tpu.memory_space<hbm>>) target(%arg7 : memref<2000xi32, #tpu.memory_space<vmem>>) target_semaphore(%run_scoped3A_86 : memref<!tpu.dma_semaphore, #tpu.memory_space<semaphore_mem>>)
      %dma_wait3A = tpu.memref_slice %arg2[%run_scoped3A_61, %add3A_60] : memref<2x320000xi32, #tpu.memory_space<hbm>> -> memref<1x2000xi32, #tpu.memory_space<hbm>>
      %dma_wait3A_90 = tpu.memref_squeeze %dma_wait3A : memref<1x2000xi32, #tpu.memory_space<hbm>> -> memref<2000xi32, #tpu.memory_space<hbm>>
      %dma_wait3A_91 = tpu.memref_slice %arg2[%run_scoped3A_61, %add3A_60] : memref<2x320000xi32, #tpu.memory_space<hbm>> -> memref<1x2000xi32, #tpu.memory_space<hbm>>
      %dma_wait3A_92 = tpu.memref_squeeze %dma_wait3A_91 : memref<1x2000xi32, #tpu.memory_space<hbm>> -> memref<2000xi32, #tpu.memory_space<hbm>>
      tpu.wait_dma2 semaphore(%run_scoped3A_86 : memref<!tpu.dma_semaphore, #tpu.memory_space<semaphore_mem>>) src(%dma_wait3A_92 : memref<2000xi32, #tpu.memory_space<hbm>>) dst(%arg7 : memref<2000xi32, #tpu.memory_space<vmem>>)
      tpu.yield
    }) : () -> ()
    %scan3A_62 = arith.constant 0 : i32
    %scan3A_63 = arith.constant 125 : i32
    %scan3A_64 = arith.addi %scan3A_62, %scan3A_63 : i32
    %scan3A_65 = arith.constant 1 : i32
    scf.for %scan3A_86 = %scan3A_62 to %scan3A_64 step %scan3A_65  : i32 {
      %mul3A_87 = arith.constant 1 : i32
      %mul3A_88 = arith.muli %scan3A_86, %mul3A_87 : i32
      %add3A_89 = arith.constant 0 : i32
      %add3A_90 = arith.addi %add3A_89, %mul3A_88 : i32
      %mul3A_91 = arith.constant 16 : i32
      %mul3A_92 = arith.muli %add3A_90, %mul3A_91 : i32
      %get3A = arith.index_cast %mul3A_92 : i32 to index
      %get3A_93 = tpu.vector_load %arg6[%get3A] {strides = array<i32>} : memref<2000xi32, #tpu.memory_space<vmem>>, vector<16xi32>,
      %get3A_94 = arith.index_cast %mul3A_92 : i32 to index
      %get3A_95 = tpu.vector_load %arg7[%get3A_94] {strides = array<i32>} : memref<2000xi32, #tpu.memory_space<vmem>>, vector<16xi32>,
      %gather3A = tpu.vector_load_idx %arg9[%get3A_93, %broadcast_in_dim3A_9] : memref<10000x2xf32, #tpu.memory_space<vmem>>[vector<16xi32>, vector<16xi32>], vector<16xf32>,
      %gather3A_96 = tpu.vector_load_idx %arg9[%get3A_95, %broadcast_in_dim3A_11] : memref<10000x2xf32, #tpu.memory_space<vmem>>[vector<16xi32>, vector<16xi32>], vector<16xf32>,
      %add3A_97 = arith.addf %gather3A, %gather3A_96 : vector<16xf32>
      %ge3A = arith.constant 0.000000e+00 : f32
      %ge3A_98 = vector.broadcast %ge3A : f32 to vector<16xf32>
      %ge3A_99 = arith.cmpf oge, %add3A_97, %ge3A_98 : vector<16xf32>
      %mul3A_100 = arith.constant 0.00999999977 : f32
      %mul3A_101 = vector.broadcast %mul3A_100 : f32 to vector<16xf32>
      %mul3A_102 = arith.mulf %mul3A_101, %add3A_97 : vector<16xf32>
      %select_n3A = arith.select %ge3A_99, %add3A_97, %mul3A_102 : vector<16xi1>, vector<16xf32>
      %exp3A = math.exp %select_n3A : vector<16xf32>
      %shift_left3A = arith.constant 14 : i32
      %shift_left3A_103 = vector.broadcast %shift_left3A : i32 to vector<16xi32>
      %shift_left3A_104 = arith.shli %get3A_95, %shift_left3A_103 : vector<16xi32>
      %or3A = arith.ori %get3A_93, %shift_left3A_104 : vector<16xi32>
      %swap3A = arith.constant 0 : i32
      %swap3A_105 = arith.index_cast %swap3A : i32 to index
      %swap3A_106 = arith.index_cast %mul3A_92 : i32 to index
      %swap3A_107 = tpu.vector_load %arg8[%swap3A_105, %swap3A_106] {strides = array<i32>} : memref<2x2000xi32, #tpu.memory_space<vmem>>, vector<16xi32>,
      tpu.vector_store %arg8[%swap3A_105, %swap3A_106], %or3A {strides = array<i32>} : memref<2x2000xi32, #tpu.memory_space<vmem>>, vector<16xi32>,
      %bitcast3A = vector.bitcast %exp3A : vector<16xf32> to vector<16xi32>
      %swap3A_108 = arith.constant 1 : i32
      %swap3A_109 = arith.index_cast %swap3A_108 : i32 to index
      %swap3A_110 = arith.index_cast %mul3A_92 : i32 to index
      %swap3A_111 = tpu.vector_load %arg8[%swap3A_109, %swap3A_110] {strides = array<i32>} : memref<2x2000xi32, #tpu.memory_space<vmem>>, vector<16xi32>,
      tpu.vector_store %arg8[%swap3A_109, %swap3A_110], %bitcast3A {strides = array<i32>} : memref<2x2000xi32, #tpu.memory_space<vmem>>, vector<16xi32>,
      tpu.vector_store_idx %arg10[%broadcast_in_dim3A_9, %get3A_95], %exp3A {add = true} : memref<1x10000xf32, #tpu.memory_space<vmem>>[vector<16xi32>, vector<16xi32>], vector<16xf32>,
    }
    %scan3A_66 = arith.constant 125 : i32
    %mul3A_67 = arith.constant 5 : i32
    %mul3A_68 = arith.muli %add3A, %mul3A_67 : i32
    %add3A_69 = arith.constant 3 : i32
    %add3A_70 = arith.addi %mul3A_68, %add3A_69 : i32
    "tpu.region"() ({
      %run_scoped3A_86 = tpu.sem_alloc : memref<!tpu.dma_semaphore, #tpu.memory_space<semaphore_mem>>
      %dma_start3A = arith.constant 0 : i32
      %dma_start3A_87 = arith.constant 0 : i32
      %dma_start3A_88 = tpu.memref_slice %arg4[%add3A_70, %dma_start3A, %dma_start3A_87] : memref<160x2x2000xi32, #tpu.memory_space<hbm>> -> memref<1x2x2000xi32, #tpu.memory_space<hbm>>
      %dma_start3A_89 = tpu.memref_squeeze %dma_start3A_88 : memref<1x2x2000xi32, #tpu.memory_space<hbm>> -> memref<2x2000xi32, #tpu.memory_space<hbm>>
      %dma_start3A_90 = arith.constant 0 : i32
      %dma_start3A_91 = arith.constant 0 : i32
      %dma_start3A_92 = tpu.memref_slice %arg4[%add3A_70, %dma_start3A_90, %dma_start3A_91] : memref<160x2x2000xi32, #tpu.memory_space<hbm>> -> memref<1x2x2000xi32, #tpu.memory_space<hbm>>
      %dma_start3A_93 = tpu.memref_squeeze %dma_start3A_92 : memref<1x2x2000xi32, #tpu.memory_space<hbm>> -> memref<2x2000xi32, #tpu.memory_space<hbm>>
      tpu.enqueue_dma source(%arg8 : memref<2x2000xi32, #tpu.memory_space<vmem>>) target(%dma_start3A_93 : memref<2x2000xi32, #tpu.memory_space<hbm>>) target_semaphore(%run_scoped3A_86 : memref<!tpu.dma_semaphore, #tpu.memory_space<semaphore_mem>>)
      %dma_wait3A = arith.constant 0 : i32
      %dma_wait3A_94 = arith.constant 0 : i32
      %dma_wait3A_95 = tpu.memref_slice %arg4[%add3A_70, %dma_wait3A, %dma_wait3A_94] : memref<160x2x2000xi32, #tpu.memory_space<hbm>> -> memref<1x2x2000xi32, #tpu.memory_space<hbm>>
      %dma_wait3A_96 = tpu.memref_squeeze %dma_wait3A_95 : memref<1x2x2000xi32, #tpu.memory_space<hbm>> -> memref<2x2000xi32, #tpu.memory_space<hbm>>
      %dma_wait3A_97 = arith.constant 0 : i32
      %dma_wait3A_98 = arith.constant 0 : i32
      %dma_wait3A_99 = tpu.memref_slice %arg4[%add3A_70, %dma_wait3A_97, %dma_wait3A_98] : memref<160x2x2000xi32, #tpu.memory_space<hbm>> -> memref<1x2x2000xi32, #tpu.memory_space<hbm>>
      %dma_wait3A_100 = tpu.memref_squeeze %dma_wait3A_99 : memref<1x2x2000xi32, #tpu.memory_space<hbm>> -> memref<2x2000xi32, #tpu.memory_space<hbm>>
      tpu.wait_dma2 semaphore(%run_scoped3A_86 : memref<!tpu.dma_semaphore, #tpu.memory_space<semaphore_mem>>) src(%arg8 : memref<2x2000xi32, #tpu.memory_space<vmem>>) dst(%dma_wait3A_100 : memref<2x2000xi32, #tpu.memory_space<hbm>>)
      tpu.yield
    }) : () -> ()
    %add3A_71 = arith.constant 8000 : i32
    %add3A_72 = arith.addi %mul3A_2, %add3A_71 : i32
    %run_scoped3A_73 = arith.constant 0 : i32
    "tpu.region"() ({
      %run_scoped3A_86 = tpu.sem_alloc : memref<!tpu.dma_semaphore, #tpu.memory_space<semaphore_mem>>
      %dma_start3A = tpu.memref_slice %arg2[%run_scoped3A_73, %add3A_72] : memref<2x320000xi32, #tpu.memory_space<hbm>> -> memref<1x2000xi32, #tpu.memory_space<hbm>>
      %dma_start3A_87 = tpu.memref_squeeze %dma_start3A : memref<1x2000xi32, #tpu.memory_space<hbm>> -> memref<2000xi32, #tpu.memory_space<hbm>>
      %dma_start3A_88 = tpu.memref_slice %arg2[%run_scoped3A_73, %add3A_72] : memref<2x320000xi32, #tpu.memory_space<hbm>> -> memref<1x2000xi32, #tpu.memory_space<hbm>>
      %dma_start3A_89 = tpu.memref_squeeze %dma_start3A_88 : memref<1x2000xi32, #tpu.memory_space<hbm>> -> memref<2000xi32, #tpu.memory_space<hbm>>
      tpu.enqueue_dma source(%dma_start3A_89 : memref<2000xi32, #tpu.memory_space<hbm>>) target(%arg6 : memref<2000xi32, #tpu.memory_space<vmem>>) target_semaphore(%run_scoped3A_86 : memref<!tpu.dma_semaphore, #tpu.memory_space<semaphore_mem>>)
      %dma_wait3A = tpu.memref_slice %arg2[%run_scoped3A_73, %add3A_72] : memref<2x320000xi32, #tpu.memory_space<hbm>> -> memref<1x2000xi32, #tpu.memory_space<hbm>>
      %dma_wait3A_90 = tpu.memref_squeeze %dma_wait3A : memref<1x2000xi32, #tpu.memory_space<hbm>> -> memref<2000xi32, #tpu.memory_space<hbm>>
      %dma_wait3A_91 = tpu.memref_slice %arg2[%run_scoped3A_73, %add3A_72] : memref<2x320000xi32, #tpu.memory_space<hbm>> -> memref<1x2000xi32, #tpu.memory_space<hbm>>
      %dma_wait3A_92 = tpu.memref_squeeze %dma_wait3A_91 : memref<1x2000xi32, #tpu.memory_space<hbm>> -> memref<2000xi32, #tpu.memory_space<hbm>>
      tpu.wait_dma2 semaphore(%run_scoped3A_86 : memref<!tpu.dma_semaphore, #tpu.memory_space<semaphore_mem>>) src(%dma_wait3A_92 : memref<2000xi32, #tpu.memory_space<hbm>>) dst(%arg6 : memref<2000xi32, #tpu.memory_space<vmem>>)
      tpu.yield
    }) : () -> ()
    %add3A_74 = arith.constant 8000 : i32
    %add3A_75 = arith.addi %mul3A_2, %add3A_74 : i32
    %run_scoped3A_76 = arith.constant 1 : i32
    "tpu.region"() ({
      %run_scoped3A_86 = tpu.sem_alloc : memref<!tpu.dma_semaphore, #tpu.memory_space<semaphore_mem>>
      %dma_start3A = tpu.memref_slice %arg2[%run_scoped3A_76, %add3A_75] : memref<2x320000xi32, #tpu.memory_space<hbm>> -> memref<1x2000xi32, #tpu.memory_space<hbm>>
      %dma_start3A_87 = tpu.memref_squeeze %dma_start3A : memref<1x2000xi32, #tpu.memory_space<hbm>> -> memref<2000xi32, #tpu.memory_space<hbm>>
      %dma_start3A_88 = tpu.memref_slice %arg2[%run_scoped3A_76, %add3A_75] : memref<2x320000xi32, #tpu.memory_space<hbm>> -> memref<1x2000xi32, #tpu.memory_space<hbm>>
      %dma_start3A_89 = tpu.memref_squeeze %dma_start3A_88 : memref<1x2000xi32, #tpu.memory_space<hbm>> -> memref<2000xi32, #tpu.memory_space<hbm>>
      tpu.enqueue_dma source(%dma_start3A_89 : memref<2000xi32, #tpu.memory_space<hbm>>) target(%arg7 : memref<2000xi32, #tpu.memory_space<vmem>>) target_semaphore(%run_scoped3A_86 : memref<!tpu.dma_semaphore, #tpu.memory_space<semaphore_mem>>)
      %dma_wait3A = tpu.memref_slice %arg2[%run_scoped3A_76, %add3A_75] : memref<2x320000xi32, #tpu.memory_space<hbm>> -> memref<1x2000xi32, #tpu.memory_space<hbm>>
      %dma_wait3A_90 = tpu.memref_squeeze %dma_wait3A : memref<1x2000xi32, #tpu.memory_space<hbm>> -> memref<2000xi32, #tpu.memory_space<hbm>>
      %dma_wait3A_91 = tpu.memref_slice %arg2[%run_scoped3A_76, %add3A_75] : memref<2x320000xi32, #tpu.memory_space<hbm>> -> memref<1x2000xi32, #tpu.memory_space<hbm>>
      %dma_wait3A_92 = tpu.memref_squeeze %dma_wait3A_91 : memref<1x2000xi32, #tpu.memory_space<hbm>> -> memref<2000xi32, #tpu.memory_space<hbm>>
      tpu.wait_dma2 semaphore(%run_scoped3A_86 : memref<!tpu.dma_semaphore, #tpu.memory_space<semaphore_mem>>) src(%dma_wait3A_92 : memref<2000xi32, #tpu.memory_space<hbm>>) dst(%arg7 : memref<2000xi32, #tpu.memory_space<vmem>>)
      tpu.yield
    }) : () -> ()
    %scan3A_77 = arith.constant 0 : i32
    %scan3A_78 = arith.constant 125 : i32
    %scan3A_79 = arith.addi %scan3A_77, %scan3A_78 : i32
    %scan3A_80 = arith.constant 1 : i32
    scf.for %scan3A_86 = %scan3A_77 to %scan3A_79 step %scan3A_80  : i32 {
      %mul3A_87 = arith.constant 1 : i32
      %mul3A_88 = arith.muli %scan3A_86, %mul3A_87 : i32
      %add3A_89 = arith.constant 0 : i32
      %add3A_90 = arith.addi %add3A_89, %mul3A_88 : i32
      %mul3A_91 = arith.constant 16 : i32
      %mul3A_92 = arith.muli %add3A_90, %mul3A_91 : i32
      %get3A = arith.index_cast %mul3A_92 : i32 to index
      %get3A_93 = tpu.vector_load %arg6[%get3A] {strides = array<i32>} : memref<2000xi32, #tpu.memory_space<vmem>>, vector<16xi32>,
      %get3A_94 = arith.index_cast %mul3A_92 : i32 to index
      %get3A_95 = tpu.vector_load %arg7[%get3A_94] {strides = array<i32>} : memref<2000xi32, #tpu.memory_space<vmem>>, vector<16xi32>,
      %gather3A = tpu.vector_load_idx %arg9[%get3A_93, %broadcast_in_dim3A_9] : memref<10000x2xf32, #tpu.memory_space<vmem>>[vector<16xi32>, vector<16xi32>], vector<16xf32>,
      %gather3A_96 = tpu.vector_load_idx %arg9[%get3A_95, %broadcast_in_dim3A_11] : memref<10000x2xf32, #tpu.memory_space<vmem>>[vector<16xi32>, vector<16xi32>], vector<16xf32>,
      %add3A_97 = arith.addf %gather3A, %gather3A_96 : vector<16xf32>
      %ge3A = arith.constant 0.000000e+00 : f32
      %ge3A_98 = vector.broadcast %ge3A : f32 to vector<16xf32>
      %ge3A_99 = arith.cmpf oge, %add3A_97, %ge3A_98 : vector<16xf32>
      %mul3A_100 = arith.constant 0.00999999977 : f32
      %mul3A_101 = vector.broadcast %mul3A_100 : f32 to vector<16xf32>
      %mul3A_102 = arith.mulf %mul3A_101, %add3A_97 : vector<16xf32>
      %select_n3A = arith.select %ge3A_99, %add3A_97, %mul3A_102 : vector<16xi1>, vector<16xf32>
      %exp3A = math.exp %select_n3A : vector<16xf32>
      %shift_left3A = arith.constant 14 : i32
      %shift_left3A_103 = vector.broadcast %shift_left3A : i32 to vector<16xi32>
      %shift_left3A_104 = arith.shli %get3A_95, %shift_left3A_103 : vector<16xi32>
      %or3A = arith.ori %get3A_93, %shift_left3A_104 : vector<16xi32>
      %swap3A = arith.constant 0 : i32
      %swap3A_105 = arith.index_cast %swap3A : i32 to index
      %swap3A_106 = arith.index_cast %mul3A_92 : i32 to index
      %swap3A_107 = tpu.vector_load %arg8[%swap3A_105, %swap3A_106] {strides = array<i32>} : memref<2x2000xi32, #tpu.memory_space<vmem>>, vector<16xi32>,
      tpu.vector_store %arg8[%swap3A_105, %swap3A_106], %or3A {strides = array<i32>} : memref<2x2000xi32, #tpu.memory_space<vmem>>, vector<16xi32>,
      %bitcast3A = vector.bitcast %exp3A : vector<16xf32> to vector<16xi32>
      %swap3A_108 = arith.constant 1 : i32
      %swap3A_109 = arith.index_cast %swap3A_108 : i32 to index
      %swap3A_110 = arith.index_cast %mul3A_92 : i32 to index
      %swap3A_111 = tpu.vector_load %arg8[%swap3A_109, %swap3A_110] {strides = array<i32>} : memref<2x2000xi32, #tpu.memory_space<vmem>>, vector<16xi32>,
      tpu.vector_store %arg8[%swap3A_109, %swap3A_110], %bitcast3A {strides = array<i32>} : memref<2x2000xi32, #tpu.memory_space<vmem>>, vector<16xi32>,
      tpu.vector_store_idx %arg10[%broadcast_in_dim3A_9, %get3A_95], %exp3A {add = true} : memref<1x10000xf32, #tpu.memory_space<vmem>>[vector<16xi32>, vector<16xi32>], vector<16xf32>,
    }
    %scan3A_81 = arith.constant 125 : i32
    %mul3A_82 = arith.constant 5 : i32
    %mul3A_83 = arith.muli %add3A, %mul3A_82 : i32
    %add3A_84 = arith.constant 4 : i32
    %add3A_85 = arith.addi %mul3A_83, %add3A_84 : i32
    "tpu.region"() ({
      %run_scoped3A_86 = tpu.sem_alloc : memref<!tpu.dma_semaphore, #tpu.memory_space<semaphore_mem>>
      %dma_start3A = arith.constant 0 : i32
      %dma_start3A_87 = arith.constant 0 : i32
      %dma_start3A_88 = tpu.memref_slice %arg4[%add3A_85, %dma_start3A, %dma_start3A_87] : memref<160x2x2000xi32, #tpu.memory_space<hbm>> -> memref<1x2x2000xi32, #tpu.memory_space<hbm>>
      %dma_start3A_89 = tpu.memref_squeeze %dma_start3A_88 : memref<1x2x2000xi32, #tpu.memory_space<hbm>> -> memref<2x2000xi32, #tpu.memory_space<hbm>>
      %dma_start3A_90 = arith.constant 0 : i32
      %dma_start3A_91 = arith.constant 0 : i32
      %dma_start3A_92 = tpu.memref_slice %arg4[%add3A_85, %dma_start3A_90, %dma_start3A_91] : memref<160x2x2000xi32, #tpu.memory_space<hbm>> -> memref<1x2x2000xi32, #tpu.memory_space<hbm>>
      %dma_start3A_93 = tpu.memref_squeeze %dma_start3A_92 : memref<1x2x2000xi32, #tpu.memory_space<hbm>> -> memref<2x2000xi32, #tpu.memory_space<hbm>>
      tpu.enqueue_dma source(%arg8 : memref<2x2000xi32, #tpu.memory_space<vmem>>) target(%dma_start3A_93 : memref<2x2000xi32, #tpu.memory_space<hbm>>) target_semaphore(%run_scoped3A_86 : memref<!tpu.dma_semaphore, #tpu.memory_space<semaphore_mem>>)
      %dma_wait3A = arith.constant 0 : i32
      %dma_wait3A_94 = arith.constant 0 : i32
      %dma_wait3A_95 = tpu.memref_slice %arg4[%add3A_85, %dma_wait3A, %dma_wait3A_94] : memref<160x2x2000xi32, #tpu.memory_space<hbm>> -> memref<1x2x2000xi32, #tpu.memory_space<hbm>>
      %dma_wait3A_96 = tpu.memref_squeeze %dma_wait3A_95 : memref<1x2x2000xi32, #tpu.memory_space<hbm>> -> memref<2x2000xi32, #tpu.memory_space<hbm>>
      %dma_wait3A_97 = arith.constant 0 : i32
      %dma_wait3A_98 = arith.constant 0 : i32
      %dma_wait3A_99 = tpu.memref_slice %arg4[%add3A_85, %dma_wait3A_97, %dma_wait3A_98] : memref<160x2x2000xi32, #tpu.memory_space<hbm>> -> memref<1x2x2000xi32, #tpu.memory_space<hbm>>
      %dma_wait3A_100 = tpu.memref_squeeze %dma_wait3A_99 : memref<1x2x2000xi32, #tpu.memory_space<hbm>> -> memref<2x2000xi32, #tpu.memory_space<hbm>>
      tpu.wait_dma2 semaphore(%run_scoped3A_86 : memref<!tpu.dma_semaphore, #tpu.memory_space<semaphore_mem>>) src(%arg8 : memref<2x2000xi32, #tpu.memory_space<vmem>>) dst(%dma_wait3A_100 : memref<2x2000xi32, #tpu.memory_space<hbm>>)
      tpu.yield
    }) : () -> ()
    "tpu.region"() ({
      %run_scoped3A_86 = tpu.sem_alloc : memref<!tpu.dma_semaphore, #tpu.memory_space<semaphore_mem>>
      %dma_start3A = arith.constant 0 : i32
      %dma_start3A_87 = arith.constant 0 : i32
      %dma_start3A_88 = tpu.memref_slice %arg5[%add3A, %dma_start3A, %dma_start3A_87] : memref<32x1x10000xf32, #tpu.memory_space<hbm>> -> memref<1x1x10000xf32, #tpu.memory_space<hbm>>
      %dma_start3A_89 = tpu.memref_squeeze %dma_start3A_88 : memref<1x1x10000xf32, #tpu.memory_space<hbm>> -> memref<1x10000xf32, #tpu.memory_space<hbm>>
      %dma_start3A_90 = arith.constant 0 : i32
      %dma_start3A_91 = arith.constant 0 : i32
      %dma_start3A_92 = tpu.memref_slice %arg5[%add3A, %dma_start3A_90, %dma_start3A_91] : memref<32x1x10000xf32, #tpu.memory_space<hbm>> -> memref<1x1x10000xf32, #tpu.memory_space<hbm>>
      %dma_start3A_93 = tpu.memref_squeeze %dma_start3A_92 : memref<1x1x10000xf32, #tpu.memory_space<hbm>> -> memref<1x10000xf32, #tpu.memory_space<hbm>>
      tpu.enqueue_dma source(%arg10 : memref<1x10000xf32, #tpu.memory_space<vmem>>) target(%dma_start3A_93 : memref<1x10000xf32, #tpu.memory_space<hbm>>) target_semaphore(%run_scoped3A_86 : memref<!tpu.dma_semaphore, #tpu.memory_space<semaphore_mem>>)
      %dma_wait3A = arith.constant 0 : i32
      %dma_wait3A_94 = arith.constant 0 : i32
      %dma_wait3A_95 = tpu.memref_slice %arg5[%add3A, %dma_wait3A, %dma_wait3A_94] : memref<32x1x10000xf32, #tpu.memory_space<hbm>> -> memref<1x1x10000xf32, #tpu.memory_space<hbm>>
      %dma_wait3A_96 = tpu.memref_squeeze %dma_wait3A_95 : memref<1x1x10000xf32, #tpu.memory_space<hbm>> -> memref<1x10000xf32, #tpu.memory_space<hbm>>
      %dma_wait3A_97 = arith.constant 0 : i32
      %dma_wait3A_98 = arith.constant 0 : i32
      %dma_wait3A_99 = tpu.memref_slice %arg5[%add3A, %dma_wait3A_97, %dma_wait3A_98] : memref<32x1x10000xf32, #tpu.memory_space<hbm>> -> memref<1x1x10000xf32, #tpu.memory_space<hbm>>
      %dma_wait3A_100 = tpu.memref_squeeze %dma_wait3A_99 : memref<1x1x10000xf32, #tpu.memory_space<hbm>> -> memref<1x10000xf32, #tpu.memory_space<hbm>>
      tpu.wait_dma2 semaphore(%run_scoped3A_86 : memref<!tpu.dma_semaphore, #tpu.memory_space<semaphore_mem>>) src(%arg10 : memref<1x10000xf32, #tpu.memory_space<vmem>>) dst(%dma_wait3A_100 : memref<1x10000xf32, #tpu.memory_space<hbm>>)
      tpu.yield
    }) : () -> ()
    return
  }
}

module attributes {stable_mosaic.version = 14 : i64} {
  func.func @_prep_body(%arg0: memref<10000x128xf32, #tpu.memory_space<vmem>>, %arg1: memref<128x128xf32, #tpu.memory_space<vmem>>, %arg2: memref<256x1xf32, #tpu.memory_space<vmem>>, %arg3: memref<32x4x10000xf32, #tpu.memory_space<vmem>>, %arg4: memref<10000x2xf32, #tpu.memory_space<vmem>>) attributes {dimension_semantics = [], scalar_prefetch = 0 : i64, scratch_operands = 0 : i64, tpu.core_type = #tpu.core_type<tc>} {
    %get3A = arith.constant 0 : index
    %get3A_0 = arith.constant 0 : index
    %get3A_1 = vector.load %arg0[%get3A, %get3A_0] : memref<10000x128xf32, #tpu.memory_space<vmem>>, vector<10000x128xf32>
    %get3A_2 = arith.constant 0 : index
    %get3A_3 = arith.constant 0 : index
    %get3A_4 = vector.load %arg1[%get3A_2, %get3A_3] : memref<128x128xf32, #tpu.memory_space<vmem>>, vector<128x128xf32>
    %dot_general3A = arith.constant dense<0.000000e+00> : vector<10000x128xf32>
    %dot_general3A_5 = tpu.matmul %get3A_1, %get3A_4, %dot_general3A {dimension_numbers = #tpu.dot_dimension_numbers<[1], [0], [0], [1], [0, 0, 1, 1], [], []>, transpose_lhs_hint = false} : vector<10000x128xf32>, vector<128x128xf32>, vector<10000x128xf32> -> vector<10000x128xf32>
    %transpose3A = tpu.transpose %dot_general3A_5, [1, 0] : vector<10000x128xf32> -> vector<128x10000xf32>
    %reshape3A = vector.shape_cast %transpose3A : vector<128x10000xf32> to vector<32x4x10000xf32>
    %swap3A = arith.constant 0 : index
    %swap3A_6 = arith.constant 0 : index
    %swap3A_7 = arith.constant 0 : index
    %swap3A_8 = vector.load %arg3[%swap3A, %swap3A_6, %swap3A_7] : memref<32x4x10000xf32, #tpu.memory_space<vmem>>, vector<32x4x10000xf32>
    tpu.vector_store %arg3[%swap3A, %swap3A_6, %swap3A_7], %reshape3A {strides = array<i32>} : memref<32x4x10000xf32, #tpu.memory_space<vmem>>, vector<32x4x10000xf32>,
    %get3A_9 = arith.constant 0 : index
    %get3A_10 = arith.constant 0 : index
    %get3A_11 = vector.load %arg2[%get3A_9, %get3A_10] : memref<256x1xf32, #tpu.memory_space<vmem>>, vector<128x1xf32>
    %get3A_12 = arith.constant 128 : index
    %get3A_13 = arith.constant 0 : index
    %get3A_14 = vector.load %arg2[%get3A_12, %get3A_13] : memref<256x1xf32, #tpu.memory_space<vmem>>, vector<128x1xf32>
    %concatenate3A = tpu.concatenate %get3A_11, %get3A_14 in 1 : vector<128x1xf32>, vector<128x1xf32> -> vector<128x2xf32>
    %dot_general3A_15 = arith.constant dense<0.000000e+00> : vector<10000x2xf32>
    %dot_general3A_16 = tpu.matmul %dot_general3A_5, %concatenate3A, %dot_general3A_15 {dimension_numbers = #tpu.dot_dimension_numbers<[1], [0], [0], [1], [0, 0, 1, 1], [], []>, transpose_lhs_hint = false} : vector<10000x128xf32>, vector<128x2xf32>, vector<10000x2xf32> -> vector<10000x2xf32>
    %swap3A_17 = arith.constant 0 : index
    %swap3A_18 = arith.constant 0 : index
    %swap3A_19 = vector.load %arg4[%swap3A_17, %swap3A_18] : memref<10000x2xf32, #tpu.memory_space<vmem>>, vector<10000x2xf32>
    tpu.vector_store %arg4[%swap3A_17, %swap3A_18], %dot_general3A_16 {strides = array<i32>} : memref<10000x2xf32, #tpu.memory_space<vmem>>, vector<10000x2xf32>,
    return
  }
}

module attributes {stable_mosaic.version = 14 : i64} {
  func.func @_fin_body(%arg0: memref<32x4x10000xf32, #tpu.memory_space<vmem>>, %arg1: memref<32x1x10000xf32, #tpu.memory_space<vmem>>, %arg2: memref<10000x128xf32, #tpu.memory_space<vmem>>) attributes {dimension_semantics = [], scalar_prefetch = 0 : i64, scratch_operands = 0 : i64, tpu.core_type = #tpu.core_type<tc>} {
    %get3A = arith.constant 0 : index
    %get3A_0 = arith.constant 0 : index
    %get3A_1 = arith.constant 0 : index
    %get3A_2 = vector.load %arg0[%get3A, %get3A_0, %get3A_1] : memref<32x4x10000xf32, #tpu.memory_space<vmem>>, vector<32x4x10000xf32>
    %reshape3A = vector.shape_cast %get3A_2 : vector<32x4x10000xf32> to vector<128x10000xf32>
    %get3A_3 = arith.constant 0 : index
    %get3A_4 = arith.constant 0 : index
    %get3A_5 = arith.constant 0 : index
    %get3A_6 = vector.load %arg1[%get3A_3, %get3A_4, %get3A_5] : memref<32x1x10000xf32, #tpu.memory_space<vmem>>, vector<32x1x10000xf32>
    %reshape3A_7 = vector.shape_cast %get3A_6 : vector<32x1x10000xf32> to vector<32x10000xf32>
    %broadcast_in_dim3A = arith.constant 1.000000e+00 : f32
    %broadcast_in_dim3A_8 = vector.broadcast %broadcast_in_dim3A : f32 to vector<32x1xf32>
    %dot_general3A = arith.constant dense<0.000000e+00> : vector<10000x1xf32>
    %dot_general3A_9 = tpu.matmul %reshape3A_7, %broadcast_in_dim3A_8, %dot_general3A {dimension_numbers = #tpu.dot_dimension_numbers<[0], [0], [1], [1], [0, 1, 1, 1], [], []>, transpose_lhs_hint = false} : vector<32x10000xf32>, vector<32x1xf32>, vector<10000x1xf32> -> vector<10000x1xf32>
    %gt3A = arith.constant 0.000000e+00 : f32
    %gt3A_10 = vector.broadcast %gt3A : f32 to vector<10000x1xf32>
    %gt3A_11 = arith.cmpf ogt, %dot_general3A_9, %gt3A_10 : vector<10000x1xf32>
    %jit3A = arith.constant 1.000000e+00 : f32
    %broadcast_in_dim3A_12 = vector.broadcast %jit3A : f32 to vector<10000x1xf32>
    %select_n3A = arith.select %gt3A_11, %dot_general3A_9, %broadcast_in_dim3A_12 : vector<10000x1xi1>, vector<10000x1xf32>
    %transpose3A = tpu.transpose %reshape3A, [1, 0] : vector<128x10000xf32> -> vector<10000x128xf32>
    %div3A = vector.broadcast %select_n3A : vector<10000x1xf32> to vector<10000x128xf32>
    %div3A_13 = arith.divf %transpose3A, %div3A : vector<10000x128xf32>
    %swap3A = arith.constant 0 : index
    %swap3A_14 = arith.constant 0 : index
    %swap3A_15 = vector.load %arg2[%swap3A, %swap3A_14] : memref<10000x128xf32, #tpu.memory_space<vmem>>, vector<10000x128xf32>
    tpu.vector_store %arg2[%swap3A, %swap3A_14], %div3A_13 {strides = array<i32>} : memref<10000x128xf32, #tpu.memory_space<vmem>>, vector<10000x128xf32>,
    return
  }
}

</mosaic_0001>

<sc_bundles>
// kernel: kernel.6.cloned.1.call-start
scs
__scs_entry_jumppad:
0x0: {  	(pc) =	sbr.rel $0x88, $3  }
0x1: {  	(tag) =	ssettag $0x0;
	lr =	simm.s32 $0x1  }
0x2: {  	[smem:$0x3F9D] =	sst lr;
	_ =	strace $0xD0000000  }
0x3: {  	_ = 	snop  }
0x4: {  	_ = 	snop  }
0x5: {  	_ = 	snop  }
0x6: {  	_ = 	snop  }
0x7: {  	_ = 	snop  }
__scs_overlays_trampoline_lowered:
0x8: {  	[smem:$0x3FAC] =	sst s0  }
0x9: {  	[smem:$0x3FAD] =	sst s1  }
0xa: {  	[smem:$0x3FAE] =	sst s2  }
0xb: {  	[smem:$0x3FAF] =	sst s3  }
0xc: {  	[smem:$0x3FB0] =	sst s4  }
0xd: {  	[smem:$0x3FB1] =	sst s5  }
0xe: {  	[smem:$0x3FB2] =	sst s6  }
0xf: {  	[smem:$0x3FB3] =	sst s7  }
0x10: {  	[smem:$0x3FB4] =	sst s8  }
0x11: {  	[smem:$0x3FB5] =	sst s9;
	s0 =	simm.s32 @!p0 $0x0  }
0x12: {  	s1 =	sld [smem:$0x3F9B];
	s0 =	simm.s32 @p0 $0x1  }
0x13: {  	[smem:$0x3FB6] =	sst s0;
	s0 =	simm.s32 @!p1 $0x0  }
0x14: {  	s2 =	sld [smem:$0x3F9A];
	s0 =	simm.s32 @p1 $0x1  }
0x15: {  	[smem:$0x3FB7] =	sst s0;
	s0 =	simm.s32 @!p2 $0x0  }
0x16: {  	s3 =	sld [smem:$0x3FDB];
	s0 =	simm.s32 @p2 $0x1  }
0x17: {  	s4 =	simm.s32 $0x1BF5;
	[smem:$0x3FB9] =	sst s0  }
0x18: {  	s0 =	sld [smem:$0x3F9C];
	_ =	swait.ge [sflag:s4], $0x0  }
0x19: {  	s7 =	sld [smem:$0x3F9D]  }
0x1a: {  	s8 =	sadd.s32 $0xFFFFE003, lr  }
0x1b: {  	s9 =	sadd.s32 $0xFFFFFEF7, lr;
	s5 =	simm.s32 $0xFFFFFFFF;
	p2 =	slt.u32 s8, $0xFFFFF086  }
0x1c: {  	p1 =	slt.u32 s9, $0xF7A;
	s5 =	simm.s32 @!p2 $0x0  }
0x1d: {  	s5 =	simm.s32 @p1 $0x1;
	p0 =	seq.s32 s7, s2  }
0x1e: {  	s7 =	smul.u32 @!p0 $0xF7A, s2;
	p2 =	seq.s32 @!p0 s5, $0x0  }
0x1f: {  	s9 =	smul.u32 $0xF7A, s1;
	s8 =	simm.s32 @!p0 $0x1BF5;
	p2 =	por !p2, p0  }
0x20: {  	[sflag:s8] =	ssyncset.s32 @!p0 $0xFFFFF086;
	s6 =	sadd.s32 @!p0 s3, s7;
	s7 =	simm.s32 @!p0 $0x108  }
0x21: {  	s3 =	sadd.s32 s3, s9;
	s6 =	sadd.s32 @!p0 $0x88, s6;
	s7 =	simm.s32 @p2 $0x1082  }
0x22: {  	[simem:s7], [sflag:s8] =	dma.local @!p0 [hbm:s6], $0xF7A  }
0x23: {  	s9 =	sor.u32 $0xD0000000, s2;
	s6 =	simm.s32 $0x108;
	_ =	swait.ge @!p0 [sflag:s8], $0x0  }
0x24: {  	s3 =	sadd.s32 $0x88, s3;
	s6 =	simm.s32 @!p1 $0x1082;
	[sflag:s4] =	ssyncset.s32 $0xFFFFF086  }
0x25: {  	[simem:s6], [sflag:s4] =	dma.local [hbm:s3], $0xF7A  }
0x26: {  	[smem:$0x3F9D] =	sst s1;
	(tag) =	ssettag s2;
	_ =	strace s9  }
0x27: {  	s1 =	sld [smem:$0x3FAD]  }
0x28: {  	s2 =	sld [smem:$0x3FAE]  }
0x29: {  	s4 =	sld [smem:$0x3FB0]  }
0x2a: {  	p0 =	seq.s32 s5, $0x0;
	s5 =	sld [smem:$0x3FB1]  }
0x2b: {  	s6 =	sld [smem:$0x3FB2]  }
0x2c: {  	s7 =	sld [smem:$0x3FB3]  }
0x2d: {  	s3 =	simm.s32 $0x108;
	s8 =	sld [smem:$0x3FB4]  }
0x2e: {  	s3 =	simm.s32 @!p0 $0x1082;
	s9 =	sld [smem:$0x3FB5]  }
0x2f: {  	lr =	sadd.s32 s0, s3;
	s0 =	sld [smem:$0x3FAC]  }
0x30: {  	s3 =	sld [smem:$0x3FAF]  }
0x31: {  	[smem:$0x3FB8] =	sst s10  }
0x32: {  	s10 =	sld [smem:$0x3FB6];
	_ =	sdelay $0x3  }
0x33: {  	p0 =	seq.s32 s10, $0x1;
	s10 =	sld [smem:$0x3FB8];
	_ =	sdelay $0x3  }
0x34: {  	[smem:$0x3FB8] =	sst s10  }
0x35: {  	s10 =	sld [smem:$0x3FB7];
	_ =	sdelay $0x3  }
0x36: {  	p1 =	seq.s32 s10, $0x1;
	s10 =	sld [smem:$0x3FB8];
	_ =	sdelay $0x3  }
0x37: {  	[smem:$0x3FB8] =	sst s10  }
0x38: {  	s10 =	sld [smem:$0x3FB9]  }
0x39: {  	_ = 	snop;
	(pc) =	sbr.ind lr, $3  }
0x3a: {  	_ = 	snop  }
0x3b: {  	_ = 	snop  }
0x3c: {  	p2 =	seq.s32 s10, $0x1;
	s10 =	sld [smem:$0x3FB8]  }
0x3d: {  	_ =	shalt  }
0x3e: {  	_ =	shalt  }
0x3f: {  	_ =	shalt  }
0x40: {  	_ =	shalt  }
0x41: {  	_ =	shalt  }
0x42: {  	_ =	shalt  }
0x43: {  	_ =	shalt  }
0x44: {  	_ =	shalt  }
0x45: {  	_ =	shalt  }
0x46: {  	_ =	shalt  }
0x47: {  	_ =	shalt  }
0x48: {  	_ =	shalt  }
0x49: {  	_ =	shalt  }
0x4a: {  	_ =	shalt  }
0x4b: {  	_ =	shalt  }
0x4c: {  	_ =	shalt  }
0x4d: {  	_ =	shalt  }
0x4e: {  	_ =	shalt  }
0x4f: {  	_ =	shalt  }
0x50: {  	_ =	shalt  }
0x51: {  	_ =	shalt  }
0x52: {  	_ =	shalt  }
0x53: {  	_ =	shalt  }
0x54: {  	_ =	shalt  }
0x55: {  	_ =	shalt  }
0x56: {  	_ =	shalt  }
0x57: {  	_ =	shalt  }
0x58: {  	_ =	shalt  }
0x59: {  	_ =	shalt  }
0x5a: {  	_ =	shalt  }
0x5b: {  	_ =	shalt  }
0x5c: {  	_ =	shalt  }
0x5d: {  	_ =	shalt  }
0x5e: {  	_ =	shalt  }
0x5f: {  	_ =	shalt  }
0x60: {  	_ =	shalt  }
0x61: {  	_ =	shalt  }
0x62: {  	_ =	shalt  }
0x63: {  	_ =	shalt  }
0x64: {  	_ =	shalt  }
0x65: {  	_ =	shalt  }
0x66: {  	_ =	shalt  }
0x67: {  	_ =	shalt  }
0x68: {  	_ =	shalt  }
0x69: {  	_ =	shalt  }
0x6a: {  	_ =	shalt  }
0x6b: {  	_ =	shalt  }
0x6c: {  	_ =	shalt  }
0x6d: {  	_ =	shalt  }
0x6e: {  	_ =	shalt  }
0x6f: {  	_ =	shalt  }
0x70: {  	_ =	shalt  }
0x71: {  	_ =	shalt  }
0x72: {  	_ =	shalt  }
0x73: {  	_ =	shalt  }
0x74: {  	_ =	shalt  }
0x75: {  	_ =	shalt  }
0x76: {  	_ =	shalt  }
0x77: {  	_ =	shalt  }
0x78: {  	_ =	shalt  }
0x79: {  	_ =	shalt  }
0x7a: {  	_ =	shalt  }
0x7b: {  	_ =	shalt  }
0x7c: {  	_ =	shalt  }
0x7d: {  	_ =	shalt  }
0x7e: {  	_ =	shalt  }
0x7f: {  	_ =	shalt  }
0x80: {  	_ =	shalt  }
0x81: {  	_ =	shalt  }
0x82: {  	_ =	shalt  }
0x83: {  	_ =	shalt  }
0x84: {  	_ =	shalt  }
0x85: {  	_ =	shalt  }
0x86: {  	_ =	shalt  }
0x87: {  	_ =	shalt  }
.Lfunc_end0:
.L_simem_size_0:
called_computation_lowered:
.L_overlay_start_0:
0x88: {  	s2 =	sld [smem:$0x3FD9]  }
0x89: {  	s3 =	sld [smem:$0x3FFE];
	_ =	sdelay $0x1  }
0x8a: {  	s1 =	srdreg.scid  }
0x8b: {  	s0 =	sand.u32 $0x1, s1  }
0x8c: {  	s16 =	sshll.u32 s0, $0xA;
	s2 =	sadd.s32 s3, s2  }
0x8d: {  	s2 =	sadd.s32 s2, s16  }
0x8e: {  	[smem:$0x3FC4] =	sst s2  }
0x8f: {  	_ = 	snop  }
0x90: {  	(tm) =	ssettm $0x1  }
0x91: {  	s17 =	sld [smem:$0x3FFB];
	_ =	sdelay $0x3  }
0x92: {  	_ =	strace s17  }
0x93: {  	s2 =	sld [smem:$0x3FFC];
	_ =	sdelay $0x3  }
0x94: {  	_ =	strace s2  }
0x95: {  	s2 =	sld [smem:$0x3FFD];
	_ =	sdelay $0x3  }
0x96: {  	_ =	strace s2  }
0x97: {  	_ =	strace $0x8FFFFFFF  }
0x98: {  	s18 =	sld [smem:$0x3FDB];
	_ =	sdelay $0x1  }
0x99: {  	s19 =	simm.s32 $_scs_section_size  }
0x9a: {  	s4 =	simm.s32 $_size__tile_overlayer_lowered;
	s5 =	simm.s32 $_tile_overlayer_lowered  }
0x9b: {  	s22 =	simm.s32 $0x1BFF;
	s21 =	sshll.u32 s5, $0x1;
	s2 =	sadd.s32 s19, s18  }
0x9c: {  	s6 =	simm.s32 $0x0;
	s20 =	sshll.u32 s4, $0x1;
	s4 =	sadd.s32 s21, s2  }
0x9d: {  	[timem:s6], [sflag:s22] =	dma.local [hbm:s4], s20  }
0x9e: {  	_ =	swait.ge [sflag:s22], s20  }
0x9f: {  	s3 =	ssub.s32 $0x0, s20;
	[sflag:s22] =	ssyncset.done $0x0  }
0xa0: {  	[sflag:s22] =	ssyncadd.s32 s3;
	_ =	sdelay $0x1  }
0xa1: {  	s23 =	simm.s32 $0x1B8B  }
0xa2: {  	_ =	swait.ge [sflag:s23], $0x1  }
0xa3: {  	[sflag:s23] =	ssyncset.done $0x0  }
0xa4: {  	s25 =	simm.s32 $0x1B8E;
	s24 =	sld [smem:$0x3FFE];
	[sflag:s23] =	ssyncadd.s32 $0xFFFFFFFF  }
0xa5: {  	s26 =	simm.s32 $execute0_lowered;
	[smem:$0x3FD2] =	sst s25  }
0xa6: {  	s4 =	sshll.u32 s26, $0x1;
	_ =	strace $0x80000046;
	[dreg:$0x1] =	wrdreg $0xFFFFFFFF  }
0xa7: {  	s28 =	simm.s32 $_size_execute0_lowered;
	s2 =	sadd.s32 s2, s4;
	[dreg:$0x0] =	wrdreg $0x0  }
0xa8: {  	s4 =	sshll.u32 s28, $0x1;
	[dreg:$0x2] =	wrdreg s2  }
0xa9: {  	[dreg:$0x3] =	wrdreg s4  }
0xaa: {  	[dreg:$0x4] =	wrdreg $0xC0  }
0xab: {  	_ =	task [dreg:s6], $0x5FFFF  }
0xac: {  	[dreg:$0x1] =	wrdreg $0xFFFFFFFF  }
0xad: {  	[dreg:$0x0] =	wrdreg $0x60  }
0xae: {  	[dreg:$0x2] =	wrdreg s24  }
0xaf: {  	[dreg:$0x3] =	wrdreg $0x9  }
0xb0: {  	_ =	task.clear_ibuf [dreg:s6], $0x4FFFF;
	_ =	strace $0x90000046  }
0xb1: {  	s29 =	simm.s32 $0x9;
	_ =	strace $0x80000048  }
0xb2: {  	_ =	swait.ge [sflag:s29], $0x1  }
0xb3: {  	[sflag:s29] =	ssyncadd.s32 $0xFFFFFFFF  }
0xb4: {  	_ =	strace $0x90000048  }
0xb5: {  	_ =	sfence  }
0xb6: {  	s30 =	sld [smem:$0x0];
	_ =	sdelay $0x2  }
0xb7: {  	s31 =	sshll.u32 s1, $0xD;
	s1 =	sshrl.u32 s1, $0x2  }
0xb8: {  	s3 =	sand.u32 $0x4000, s31;
	s1 =	sadd.s32 s1, s30  }
0xb9: {  	s0 =	sor.u32 s3, s0;
	s1 =	sshll.u32 s1, $0x11  }
0xba: {  	s0 =	sor.u32 s1, s0  }
0xbb: {  	s0 =	sadd.s32 $0x8F2B, s0  }
0xbc: {  	[sflag:s0] =	ssyncadd.remote.s32 $0x1  }
0xbd: {  	_ =	sfence.sel $0xFFFF  }
0xbe: {  	[dreg:$0x0] =	wrdreg $0xFFFFFFFF;
	(pc) =	sbr.abs _section_cstart, $3  }
0xbf: {  	[dreg:$0x1] =	wrdreg $0xFFFFFFFF  }
0xc0: {  	_ =	task.clear_ibuf [dreg:s6], $0x2FFFF;
	_ =	strace $0x9FFFFFFF  }
0xc1: {  	(tm) =	ssettm $0x7FFFFFFF  }
tec
execute0_lowered:
.L_overlay_start_1:
0x0: {  	(tag) =	ssettag $0x1  }
0x1: {  	s0 =	srdreg.scid  }
0x2: {  	s5 =	rddreg [dreg:$0x0];
	s1 =	stileid.u32  }
0x3: {  	s2 =	simm.s32 $0x0;
	s21 =	simm.s32 $0x1F40;
	s22 =	simm.s32 $0x1  }
0x4: {  	s23 =	simm.s32 $0x7D0;
	s24 =	simm.s32 $0x157C0;
	s4 =	sand.u32 $0x1, s0  }
0x5: {  	s25 =	simm.s32 $0xFA0;
	s0 =	rddreg [dreg:$0x1];
	s3 =	sshll.u32 s4, $0x4  }
0x6: {  	s26 =	simm.s32 $0x0;
	[smem:$0x7FF] =	sst s2;
	s6 =	sor.u32 s1, s3  }
0x7: {  	s10 =	sadd.s32 $0x21600, s5;
	s4 =	ssub.s32 $0x2, s4;
	s7 =	smul.u32 $0x2710, s6  }
0x8: {  	_ =	strace $0x80000047;
	s31 =	sshrl.u32 s4, $0x1;
	s9 =	smul.u32 $0x4E20, s6  }
0x9: {  	s3 =	sadd.s32 $0x1600, s5;
	s8 =	smul.u32 $0x9C4, s6;
	s20 =	ssub.s32 s4, s31  }
0xa: {  	s20 =	smax.u32 s20, $0x1;
	s7 =	sshrl.u32 s7, $0x3;
	s9 =	sshrl.u32 s9, $0x3  }
0xb: {  	s6 =	sadd.s32 s10, s8;
	s19 =	sadd.s32 s7, s5;
	s18 =	sadd.s32 s10, s9  }
0xc: {  	s4 =	sadd.s32 $0x3E00, s19;
	s5 =	sadd.s32 $0xDA40, s19;
	s7 =	sadd.s32 $0x3EFA, s19  }
0xd: {  	s8 =	sadd.s32 $0xDB3A, s19;
	s9 =	sadd.s32 $0x1F4, s18;
	s10 =	sadd.s32 $0x3FF4, s19  }
0xe: {  	s11 =	sadd.s32 $0xDC34, s19;
	s12 =	sadd.s32 $0x3E8, s18;
	s13 =	sadd.s32 $0x40EE, s19  }
0xf: {  	s14 =	sadd.s32 $0xDD2E, s19;
	s15 =	sadd.s32 $0x5DC, s18;
	s16 =	sadd.s32 $0x41E8, s19  }
0x10: {  	v0 =	vimm.f32 $0.0e+00;
	s17 =	sadd.s32 $0xDE28, s19;
	s18 =	sadd.s32 $0x7D0, s18;
	s19 =	sadd.s32 $0x17800, s19  }
.LBB2_1:
0x11: {  	[tilespmem:s21], [sflag:$0x1] =	stream.linear.gather [hbm4b:s3+s2], $0x13880, $0x38;
	[tilespmem:$0x17ED0] =	vst v63  }
0x12: {  	_ =	swait.ge [sflag:s22], $0x13880  }
0x13: {  	[sflag:s22] =	ssyncset.done $0x0  }
0x14: {  	s28 =	simm.s32 $0x40;
	s29 =	simm.s32 $0x0;
	[sflag:s22] =	ssyncadd.s32 $0xFFFEC780  }
.LBB2_2:
0x15: {  	p0 =	sne.s32 s28, $0x9C00;
	[tilespmem:s29+$0x157C0] =	vst v0;
	s29 =	smov.u32 s28;
	s28 =	sadd.s32 $0x40, s28  }
.Ltmp0:
0x16: {  	(pc) =	sbr.rel @p0 .LBB2_2-.Ltmp0, $2  }
0x17: {  	_ =	sdelay $0x2  }
0x18: {  	s29 =	sshra.s32 s29, $0x2  }
0x19: {  	[tilespmem:s29+$0x157C0] =	vst v0;
	s28 =	simm.s32 $0x0  }
0x1a: {  	[tilespmem:s28], [sflag:$0x1] =	stream.linear.gather [hbm4b:s4+s28], $0x7D0, $0x38;
	[tilespmem:$0x17ED0] =	vst v63  }
0x1b: {  	_ =	swait.ge [sflag:s22], $0x7D0  }
0x1c: {  	[sflag:s22] =	ssyncset.done $0x0  }
0x1d: {  	[sflag:s22] =	ssyncadd.s32 $0xFFFFF830  }
0x1e: {  	[tilespmem:s23], [sflag:$0x1] =	stream.linear.gather [hbm4b:s5+s28], $0x7D0, $0x38;
	[tilespmem:$0x17ED0] =	vst v63  }
0x1f: {  	_ =	swait.ge [sflag:s22], $0x7D0  }
0x20: {  	[sflag:s22] =	ssyncset.done $0x0  }
0x21: {  	s28 =	simm.s32 $0x0;
	[sflag:s22] =	ssyncadd.s32 $0xFFFFF830  }
0x22: {  	v1 =	vld [tilespmem:s28+$0x7D0]  }
0x23: {  	v2 =	vld [tilespmem:s28+$0x0];
	_ =	sdelay $0x4  }
0x24: {  	v3 =	vshll.u32 v1, $0x3;
	v4 =	vshll.u32 v2, $0x3  }
0x25: {  	v3 =	vor.u32 $0x1, v3;
	_ =	sdelay $0x3  }
0x26: {  	v4 =	vld.idx.msk [tilespmem:v4+s21+$0x0], $0xffff  }
0x27: {  	v3 =	vld.idx.msk [tilespmem:v3+s21+$0x0], $0xffff;
	_ =	sdelay $0x4  }
0x28: {  	v3 =	vadd.f32 v3, v4;
	_ =	sdelay $0x1  }
0x29: {  	v4 =	vmul.f32 $9.999999770e-03, v3  }
0x2a: {  	vm0 =	vge.f32 v3, $0.0e+00  }
0x2b: {  	v3 =	vsel vm0, v3, v4  }
0x2c: {  	v3 =	vmul.f32 $1.442695020e+00, v3;
	_ =	sdelay $0x1  }
0x2d: {  	(erf) = vpow2.f32 v3;
	_ =	sdelay $0x4  }
0x2e: {  	v3 =	vshll.u32 v1, $0xE  }
0x2f: {  	v2 =	vor.u32 v2, v3;
	_ =	sdelay $0x2  }
0x30: {  	s29 =	simm.s32 $0x40;
	[tilespmem:s28+$0xFA0] =	vst v2;
	v2 =	vpop (erf)  }
.LBB2_4:
0x31: {  	p0 =	sne.s32 s29, $0x1F00;
	[tilespmem:s28+$0x1770] =	vst v2;
	s28 =	smov.u32 s29;
	s29 =	sadd.s32 $0x40, s29  }
0x32: {  	s28 =	sshra.s32 s28, $0x2;
	[tilespmem:v1+s24+$0x0] =	vst.idx.add.f32.msk $0xffff, v2  }
0x33: {  	v1 =	vld [tilespmem:s28+$0x7D0]  }
0x34: {  	v2 =	vld [tilespmem:s28+$0x0];
	_ =	sdelay $0x3  }
0x35: {  	v3 =	vshll.u32 v1, $0x3;
	v4 =	vshll.u32 v1, $0xE  }
0x36: {  	v5 =	vshll.u32 v2, $0x3;
	v3 =	vor.u32 $0x1, v3;
	v2 =	vor.u32 v2, v4;
	_ =	sdelay $0x4  }
0x37: {  	v3 =	vld.idx.msk [tilespmem:v3+s21+$0x0], $0xffff  }
0x38: {  	v4 =	vld.idx.msk [tilespmem:v5+s21+$0x0], $0xffff  }
0x39: {  	[tilespmem:s28+$0xFA0] =	vst v2;
	_ =	sdelay $0x4  }
0x3a: {  	v2 =	vadd.f32 v3, v4;
	_ =	sdelay $0x1  }
0x3b: {  	vm0 =	vge.f32 v2, $0.0e+00;
	v3 =	vmul.f32 $9.999999770e-03, v2;
	_ =	sdelay $0x1  }
0x3c: {  	v2 =	vsel vm0, v2, v3  }
0x3d: {  	v2 =	vmul.f32 $1.442695020e+00, v2;
	_ =	sdelay $0x1  }
0x3e: {  	(erf) = vpow2.f32 v2;
	_ =	sdelay $0x4  }
.Ltmp1:
0x3f: {  	(pc) =	sbr.rel @p0 .LBB2_4-.Ltmp1, $2  }
0x40: {  	_ =	sdelay $0x2  }
0x41: {  	v2 =	vpop (erf)  }
0x42: {  	_ =	sdelay $0x2  }
0x43: {  	[tilespmem:s28+$0x1770] =	vst v2  }
0x44: {  	s28 =	simm.s32 $0x0;
	[tilespmem:v1+s24+$0x0] =	vst.idx.add.f32.msk $0xffff, v2  }
0x45: {  	[hbm4b:s6+s28] =	stream.linear.scatter [tilespmem:s25], [sflag:$0x1], $0xFA0, $0x38;
	[tilespmem:$0x17ED0] =	vst v63  }
0x46: {  	_ =	swait.ge [sflag:s22], $0xFA0  }
0x47: {  	[sflag:s22] =	ssyncset.done $0x0  }
0x48: {  	[sflag:s22] =	ssyncadd.s32 $0xFFFFF060  }
0x49: {  	[tilespmem:s28], [sflag:$0x1] =	stream.linear.gather [hbm4b:s7+s28], $0x7D0, $0x38;
	[tilespmem:$0x17ED0] =	vst v63  }
0x4a: {  	_ =	swait.ge [sflag:s22], $0x7D0  }
0x4b: {  	[sflag:s22] =	ssyncset.done $0x0  }
0x4c: {  	[sflag:s22] =	ssyncadd.s32 $0xFFFFF830  }
0x4d: {  	[tilespmem:s23], [sflag:$0x1] =	stream.linear.gather [hbm4b:s8+s28], $0x7D0, $0x38;
	[tilespmem:$0x17ED0] =	vst v63  }
0x4e: {  	_ =	swait.ge [sflag:s22], $0x7D0  }
0x4f: {  	[sflag:s22] =	ssyncset.done $0x0  }
0x50: {  	s28 =	simm.s32 $0x0;
	[sflag:s22] =	ssyncadd.s32 $0xFFFFF830  }
0x51: {  	v1 =	vld [tilespmem:s28+$0x7D0]  }
0x52: {  	v2 =	vld [tilespmem:s28+$0x0];
	_ =	sdelay $0x4  }
0x53: {  	v3 =	vshll.u32 v1, $0x3;
	v4 =	vshll.u32 v2, $0x3  }
0x54: {  	v3 =	vor.u32 $0x1, v3;
	_ =	sdelay $0x3  }
0x55: {  	v4 =	vld.idx.msk [tilespmem:v4+s21+$0x0], $0xffff  }
0x56: {  	v3 =	vld.idx.msk [tilespmem:v3+s21+$0x0], $0xffff;
	_ =	sdelay $0x4  }
0x57: {  	v3 =	vadd.f32 v3, v4;
	_ =	sdelay $0x1  }
0x58: {  	v4 =	vmul.f32 $9.999999770e-03, v3  }
0x59: {  	vm0 =	vge.f32 v3, $0.0e+00  }
0x5a: {  	v3 =	vsel vm0, v3, v4  }
0x5b: {  	v3 =	vmul.f32 $1.442695020e+00, v3;
	_ =	sdelay $0x1  }
0x5c: {  	(erf) = vpow2.f32 v3;
	_ =	sdelay $0x4  }
0x5d: {  	v3 =	vshll.u32 v1, $0xE  }
0x5e: {  	v2 =	vor.u32 v2, v3;
	_ =	sdelay $0x2  }
0x5f: {  	s29 =	simm.s32 $0x40;
	[tilespmem:s28+$0xFA0] =	vst v2;
	v2 =	vpop (erf)  }
.LBB2_6:
0x60: {  	p0 =	sne.s32 s29, $0x1F00;
	[tilespmem:s28+$0x1770] =	vst v2;
	s28 =	smov.u32 s29;
	s29 =	sadd.s32 $0x40, s29  }
0x61: {  	s28 =	sshra.s32 s28, $0x2;
	[tilespmem:v1+s24+$0x0] =	vst.idx.add.f32.msk $0xffff, v2  }
0x62: {  	v1 =	vld [tilespmem:s28+$0x7D0]  }
0x63: {  	v2 =	vld [tilespmem:s28+$0x0];
	_ =	sdelay $0x3  }
0x64: {  	v3 =	vshll.u32 v1, $0x3;
	v4 =	vshll.u32 v1, $0xE  }
0x65: {  	v5 =	vshll.u32 v2, $0x3;
	v3 =	vor.u32 $0x1, v3;
	v2 =	vor.u32 v2, v4;
	_ =	sdelay $0x4  }
0x66: {  	v3 =	vld.idx.msk [tilespmem:v3+s21+$0x0], $0xffff  }
0x67: {  	v4 =	vld.idx.msk [tilespmem:v5+s21+$0x0], $0xffff  }
0x68: {  	[tilespmem:s28+$0xFA0] =	vst v2;
	_ =	sdelay $0x4  }
0x69: {  	v2 =	vadd.f32 v3, v4;
	_ =	sdelay $0x1  }
0x6a: {  	vm0 =	vge.f32 v2, $0.0e+00;
	v3 =	vmul.f32 $9.999999770e-03, v2;
	_ =	sdelay $0x1  }
0x6b: {  	v2 =	vsel vm0, v2, v3  }
0x6c: {  	v2 =	vmul.f32 $1.442695020e+00, v2;
	_ =	sdelay $0x1  }
0x6d: {  	(erf) = vpow2.f32 v2;
	_ =	sdelay $0x4  }
.Ltmp2:
0x6e: {  	(pc) =	sbr.rel @p0 .LBB2_6-.Ltmp2, $2  }
0x6f: {  	_ =	sdelay $0x2  }
0x70: {  	v2 =	vpop (erf)  }
0x71: {  	_ =	sdelay $0x2  }
0x72: {  	[tilespmem:s28+$0x1770] =	vst v2  }
0x73: {  	s28 =	simm.s32 $0x0;
	[tilespmem:v1+s24+$0x0] =	vst.idx.add.f32.msk $0xffff, v2  }
0x74: {  	[hbm4b:s9+s28] =	stream.linear.scatter [tilespmem:s25], [sflag:$0x1], $0xFA0, $0x38;
	[tilespmem:$0x17ED0] =	vst v63  }
0x75: {  	_ =	swait.ge [sflag:s22], $0xFA0  }
0x76: {  	[sflag:s22] =	ssyncset.done $0x0  }
0x77: {  	[sflag:s22] =	ssyncadd.s32 $0xFFFFF060  }
0x78: {  	[tilespmem:s28], [sflag:$0x1] =	stream.linear.gather [hbm4b:s10+s28], $0x7D0, $0x38;
	[tilespmem:$0x17ED0] =	vst v63  }
0x79: {  	_ =	swait.ge [sflag:s22], $0x7D0  }
0x7a: {  	[sflag:s22] =	ssyncset.done $0x0  }
0x7b: {  	[sflag:s22] =	ssyncadd.s32 $0xFFFFF830  }
0x7c: {  	[tilespmem:s23], [sflag:$0x1] =	stream.linear.gather [hbm4b:s11+s28], $0x7D0, $0x38;
	[tilespmem:$0x17ED0] =	vst v63  }
0x7d: {  	_ =	swait.ge [sflag:s22], $0x7D0  }
0x7e: {  	[sflag:s22] =	ssyncset.done $0x0  }
0x7f: {  	s28 =	simm.s32 $0x0;
	[sflag:s22] =	ssyncadd.s32 $0xFFFFF830  }
0x80: {  	v1 =	vld [tilespmem:s28+$0x7D0]  }
0x81: {  	v2 =	vld [tilespmem:s28+$0x0];
	_ =	sdelay $0x4  }
0x82: {  	v3 =	vshll.u32 v1, $0x3;
	v4 =	vshll.u32 v2, $0x3  }
0x83: {  	v3 =	vor.u32 $0x1, v3;
	_ =	sdelay $0x3  }
0x84: {  	v4 =	vld.idx.msk [tilespmem:v4+s21+$0x0], $0xffff  }
0x85: {  	v3 =	vld.idx.msk [tilespmem:v3+s21+$0x0], $0xffff;
	_ =	sdelay $0x4  }
0x86: {  	v3 =	vadd.f32 v3, v4;
	_ =	sdelay $0x1  }
0x87: {  	v4 =	vmul.f32 $9.999999770e-03, v3  }
0x88: {  	vm0 =	vge.f32 v3, $0.0e+00  }
0x89: {  	v3 =	vsel vm0, v3, v4  }
0x8a: {  	v3 =	vmul.f32 $1.442695020e+00, v3;
	_ =	sdelay $0x1  }
0x8b: {  	(erf) = vpow2.f32 v3;
	_ =	sdelay $0x4  }
0x8c: {  	v3 =	vshll.u32 v1, $0xE  }
0x8d: {  	v2 =	vor.u32 v2, v3;
	_ =	sdelay $0x2  }
0x8e: {  	s29 =	simm.s32 $0x40;
	[tilespmem:s28+$0xFA0] =	vst v2;
	v2 =	vpop (erf)  }
.LBB2_8:
0x8f: {  	p0 =	sne.s32 s29, $0x1F00;
	[tilespmem:s28+$0x1770] =	vst v2;
	s28 =	smov.u32 s29;
	s29 =	sadd.s32 $0x40, s29  }
0x90: {  	s28 =	sshra.s32 s28, $0x2;
	[tilespmem:v1+s24+$0x0] =	vst.idx.add.f32.msk $0xffff, v2  }
0x91: {  	v1 =	vld [tilespmem:s28+$0x7D0]  }
0x92: {  	v2 =	vld [tilespmem:s28+$0x0];
	_ =	sdelay $0x3  }
0x93: {  	v3 =	vshll.u32 v1, $0x3;
	v4 =	vshll.u32 v1, $0xE  }
0x94: {  	v5 =	vshll.u32 v2, $0x3;
	v3 =	vor.u32 $0x1, v3;
	v2 =	vor.u32 v2, v4;
	_ =	sdelay $0x4  }
0x95: {  	v3 =	vld.idx.msk [tilespmem:v3+s21+$0x0], $0xffff  }
0x96: {  	v4 =	vld.idx.msk [tilespmem:v5+s21+$0x0], $0xffff  }
0x97: {  	[tilespmem:s28+$0xFA0] =	vst v2;
	_ =	sdelay $0x4  }
0x98: {  	v2 =	vadd.f32 v3, v4;
	_ =	sdelay $0x1  }
0x99: {  	vm0 =	vge.f32 v2, $0.0e+00;
	v3 =	vmul.f32 $9.999999770e-03, v2;
	_ =	sdelay $0x1  }
0x9a: {  	v2 =	vsel vm0, v2, v3  }
0x9b: {  	v2 =	vmul.f32 $1.442695020e+00, v2;
	_ =	sdelay $0x1  }
0x9c: {  	(erf) = vpow2.f32 v2;
	_ =	sdelay $0x4  }
.Ltmp3:
0x9d: {  	(pc) =	sbr.rel @p0 .LBB2_8-.Ltmp3, $2  }
0x9e: {  	_ =	sdelay $0x2  }
0x9f: {  	v2 =	vpop (erf)  }
0xa0: {  	_ =	sdelay $0x2  }
0xa1: {  	[tilespmem:s28+$0x1770] =	vst v2  }
0xa2: {  	s28 =	simm.s32 $0x0;
	[tilespmem:v1+s24+$0x0] =	vst.idx.add.f32.msk $0xffff, v2  }
0xa3: {  	[hbm4b:s12+s28] =	stream.linear.scatter [tilespmem:s25], [sflag:$0x1], $0xFA0, $0x38;
	[tilespmem:$0x17ED0] =	vst v63  }
0xa4: {  	_ =	swait.ge [sflag:s22], $0xFA0  }
0xa5: {  	[sflag:s22] =	ssyncset.done $0x0  }
0xa6: {  	[sflag:s22] =	ssyncadd.s32 $0xFFFFF060  }
0xa7: {  	[tilespmem:s28], [sflag:$0x1] =	stream.linear.gather [hbm4b:s13+s28], $0x7D0, $0x38;
	[tilespmem:$0x17ED0] =	vst v63  }
0xa8: {  	_ =	swait.ge [sflag:s22], $0x7D0  }
0xa9: {  	[sflag:s22] =	ssyncset.done $0x0  }
0xaa: {  	[sflag:s22] =	ssyncadd.s32 $0xFFFFF830  }
0xab: {  	[tilespmem:s23], [sflag:$0x1] =	stream.linear.gather [hbm4b:s14+s28], $0x7D0, $0x38;
	[tilespmem:$0x17ED0] =	vst v63  }
0xac: {  	_ =	swait.ge [sflag:s22], $0x7D0  }
0xad: {  	[sflag:s22] =	ssyncset.done $0x0  }
0xae: {  	s28 =	simm.s32 $0x0;
	[sflag:s22] =	ssyncadd.s32 $0xFFFFF830  }
0xaf: {  	v1 =	vld [tilespmem:s28+$0x7D0]  }
0xb0: {  	v2 =	vld [tilespmem:s28+$0x0];
	_ =	sdelay $0x4  }
0xb1: {  	v3 =	vshll.u32 v1, $0x3;
	v4 =	vshll.u32 v2, $0x3  }
0xb2: {  	v3 =	vor.u32 $0x1, v3;
	_ =	sdelay $0x3  }
0xb3: {  	v4 =	vld.idx.msk [tilespmem:v4+s21+$0x0], $0xffff  }
0xb4: {  	v3 =	vld.idx.msk [tilespmem:v3+s21+$0x0], $0xffff;
	_ =	sdelay $0x4  }
0xb5: {  	v3 =	vadd.f32 v3, v4;
	_ =	sdelay $0x1  }
0xb6: {  	v4 =	vmul.f32 $9.999999770e-03, v3  }
0xb7: {  	vm0 =	vge.f32 v3, $0.0e+00  }
0xb8: {  	v3 =	vsel vm0, v3, v4  }
0xb9: {  	v3 =	vmul.f32 $1.442695020e+00, v3;
	_ =	sdelay $0x1  }
0xba: {  	(erf) = vpow2.f32 v3;
	_ =	sdelay $0x4  }
0xbb: {  	v3 =	vshll.u32 v1, $0xE  }
0xbc: {  	v2 =	vor.u32 v2, v3;
	_ =	sdelay $0x2  }
0xbd: {  	s29 =	simm.s32 $0x40;
	[tilespmem:s28+$0xFA0] =	vst v2;
	v2 =	vpop (erf)  }
.LBB2_10:
0xbe: {  	p0 =	sne.s32 s29, $0x1F00;
	[tilespmem:s28+$0x1770] =	vst v2;
	s28 =	smov.u32 s29;
	s29 =	sadd.s32 $0x40, s29  }
0xbf: {  	s28 =	sshra.s32 s28, $0x2;
	[tilespmem:v1+s24+$0x0] =	vst.idx.add.f32.msk $0xffff, v2  }
0xc0: {  	v1 =	vld [tilespmem:s28+$0x7D0]  }
0xc1: {  	v2 =	vld [tilespmem:s28+$0x0];
	_ =	sdelay $0x3  }
0xc2: {  	v3 =	vshll.u32 v1, $0x3;
	v4 =	vshll.u32 v1, $0xE  }
0xc3: {  	v5 =	vshll.u32 v2, $0x3;
	v3 =	vor.u32 $0x1, v3;
	v2 =	vor.u32 v2, v4;
	_ =	sdelay $0x4  }
0xc4: {  	v3 =	vld.idx.msk [tilespmem:v3+s21+$0x0], $0xffff  }
0xc5: {  	v4 =	vld.idx.msk [tilespmem:v5+s21+$0x0], $0xffff  }
0xc6: {  	[tilespmem:s28+$0xFA0] =	vst v2;
	_ =	sdelay $0x4  }
0xc7: {  	v2 =	vadd.f32 v3, v4;
	_ =	sdelay $0x1  }
0xc8: {  	vm0 =	vge.f32 v2, $0.0e+00;
	v3 =	vmul.f32 $9.999999770e-03, v2;
	_ =	sdelay $0x1  }
0xc9: {  	v2 =	vsel vm0, v2, v3  }
0xca: {  	v2 =	vmul.f32 $1.442695020e+00, v2;
	_ =	sdelay $0x1  }
0xcb: {  	(erf) = vpow2.f32 v2;
	_ =	sdelay $0x4  }
.Ltmp4:
0xcc: {  	(pc) =	sbr.rel @p0 .LBB2_10-.Ltmp4, $2  }
0xcd: {  	_ =	sdelay $0x2  }
0xce: {  	v2 =	vpop (erf)  }
0xcf: {  	_ =	sdelay $0x2  }
0xd0: {  	[tilespmem:s28+$0x1770] =	vst v2  }
0xd1: {  	s28 =	simm.s32 $0x0;
	[tilespmem:v1+s24+$0x0] =	vst.idx.add.f32.msk $0xffff, v2  }
0xd2: {  	[hbm4b:s15+s28] =	stream.linear.scatter [tilespmem:s25], [sflag:$0x1], $0xFA0, $0x38;
	[tilespmem:$0x17ED0] =	vst v63  }
0xd3: {  	_ =	swait.ge [sflag:s22], $0xFA0  }
0xd4: {  	[sflag:s22] =	ssyncset.done $0x0  }
0xd5: {  	[sflag:s22] =	ssyncadd.s32 $0xFFFFF060  }
0xd6: {  	[tilespmem:s28], [sflag:$0x1] =	stream.linear.gather [hbm4b:s16+s28], $0x7D0, $0x38;
	[tilespmem:$0x17ED0] =	vst v63  }
0xd7: {  	_ =	swait.ge [sflag:s22], $0x7D0  }
0xd8: {  	[sflag:s22] =	ssyncset.done $0x0  }
0xd9: {  	[sflag:s22] =	ssyncadd.s32 $0xFFFFF830  }
0xda: {  	[tilespmem:s23], [sflag:$0x1] =	stream.linear.gather [hbm4b:s17+s28], $0x7D0, $0x38;
	[tilespmem:$0x17ED0] =	vst v63  }
0xdb: {  	_ =	swait.ge [sflag:s22], $0x7D0  }
0xdc: {  	[sflag:s22] =	ssyncset.done $0x0  }
0xdd: {  	s28 =	simm.s32 $0x0;
	[sflag:s22] =	ssyncadd.s32 $0xFFFFF830  }
0xde: {  	v1 =	vld [tilespmem:s28+$0x7D0]  }
0xdf: {  	v2 =	vld [tilespmem:s28+$0x0];
	_ =	sdelay $0x4  }
0xe0: {  	v3 =	vshll.u32 v1, $0x3;
	v4 =	vshll.u32 v2, $0x3  }
0xe1: {  	v3 =	vor.u32 $0x1, v3;
	_ =	sdelay $0x3  }
0xe2: {  	v4 =	vld.idx.msk [tilespmem:v4+s21+$0x0], $0xffff  }
0xe3: {  	v3 =	vld.idx.msk [tilespmem:v3+s21+$0x0], $0xffff;
	_ =	sdelay $0x4  }
0xe4: {  	v3 =	vadd.f32 v3, v4;
	_ =	sdelay $0x1  }
0xe5: {  	v4 =	vmul.f32 $9.999999770e-03, v3  }
0xe6: {  	vm0 =	vge.f32 v3, $0.0e+00  }
0xe7: {  	v3 =	vsel vm0, v3, v4  }
0xe8: {  	v3 =	vmul.f32 $1.442695020e+00, v3;
	_ =	sdelay $0x1  }
0xe9: {  	(erf) = vpow2.f32 v3;
	_ =	sdelay $0x4  }
0xea: {  	v3 =	vshll.u32 v1, $0xE  }
0xeb: {  	v2 =	vor.u32 v2, v3;
	_ =	sdelay $0x2  }
0xec: {  	s29 =	simm.s32 $0x40;
	[tilespmem:s28+$0xFA0] =	vst v2;
	v2 =	vpop (erf)  }
.LBB2_12:
0xed: {  	p0 =	sne.s32 s29, $0x1F00;
	[tilespmem:s28+$0x1770] =	vst v2;
	s28 =	smov.u32 s29;
	s29 =	sadd.s32 $0x40, s29  }
0xee: {  	s28 =	sshra.s32 s28, $0x2;
	[tilespmem:v1+s24+$0x0] =	vst.idx.add.f32.msk $0xffff, v2  }
0xef: {  	v1 =	vld [tilespmem:s28+$0x7D0]  }
0xf0: {  	v2 =	vld [tilespmem:s28+$0x0];
	_ =	sdelay $0x3  }
0xf1: {  	v3 =	vshll.u32 v1, $0x3;
	v4 =	vshll.u32 v1, $0xE  }
0xf2: {  	v5 =	vshll.u32 v2, $0x3;
	v3 =	vor.u32 $0x1, v3;
	v2 =	vor.u32 v2, v4;
	_ =	sdelay $0x4  }
0xf3: {  	v3 =	vld.idx.msk [tilespmem:v3+s21+$0x0], $0xffff  }
0xf4: {  	v4 =	vld.idx.msk [tilespmem:v5+s21+$0x0], $0xffff  }
0xf5: {  	[tilespmem:s28+$0xFA0] =	vst v2;
	_ =	sdelay $0x4  }
0xf6: {  	v2 =	vadd.f32 v3, v4;
	_ =	sdelay $0x1  }
0xf7: {  	vm0 =	vge.f32 v2, $0.0e+00;
	v3 =	vmul.f32 $9.999999770e-03, v2;
	_ =	sdelay $0x1  }
0xf8: {  	v2 =	vsel vm0, v2, v3  }
0xf9: {  	v2 =	vmul.f32 $1.442695020e+00, v2;
	_ =	sdelay $0x1  }
0xfa: {  	(erf) = vpow2.f32 v2;
	_ =	sdelay $0x4  }
.Ltmp5:
0xfb: {  	(pc) =	sbr.rel @p0 .LBB2_12-.Ltmp5, $2  }
0xfc: {  	_ =	sdelay $0x2  }
0xfd: {  	v2 =	vpop (erf)  }
0xfe: {  	_ =	sdelay $0x2  }
0xff: {  	[tilespmem:s28+$0x1770] =	vst v2  }
0x100: {  	[tilespmem:v1+s24+$0x0] =	vst.idx.add.f32.msk $0xffff, v2  }
0x101: {  	[hbm4b:s18+s2] =	stream.linear.scatter [tilespmem:s25], [sflag:$0x1], $0xFA0, $0x38;
	[tilespmem:$0x17ED0] =	vst v63  }
0x102: {  	s26 =	sadd.s32 $0x1, s26;
	_ =	swait.ge [sflag:s22], $0xFA0  }
0x103: {  	p0 =	sne.s32 s26, s20;
	[sflag:s22] =	ssyncset.done $0x0  }
.Ltmp6:
0x104: {  	[sflag:s22] =	ssyncadd.s32 $0xFFFFF060;
	(pc) =	sbr.rel @p0 .LBB2_1-.Ltmp6, $4  }
0x105: {  	[hbm4b:s19+s2] =	stream.linear.scatter [tilespmem:s24], [sflag:$0x1], $0x2710, $0x38;
	[tilespmem:$0x17ED0] =	vst v63  }
0x106: {  	_ =	swait.ge [sflag:s22], $0x2710  }
0x107: {  	[sflag:s22] =	ssyncset.done $0x0  }
0x108: {  	[sflag:s22] =	ssyncadd.s32 $0xFFFFD8F0  }
0x109: {  	_ =	sfence.sel $0x180000  }
0x10a: {  	[bflag:$0x0] =	sbarrier.arrive $0xFFFF  }
0x10b: {  	p0 =	sne.s32 s1, $0x0;
	_ =	strace $0x90000047  }
0x10c: {  	s0 =	sadd.s32 @!p0 $0x100000, s0;
	[bflag:$0x2] =	sbarrier.arrive $0xFFFF  }
0x10d: {  	[sflag:s0] =	ssyncadd.tile.s32 @!p0 $0x1;
	_ =	shalt  }
.Lfunc_end2:
_tile_overlayer_lowered:
.L_overlay_start_2:
0x10e: {  	(tag) =	ssettag $0x2  }
0x10f: {  	s0 =	rddreg [dreg:$0x0];
	s2 =	stileid.u32  }
0x110: {  	s1 =	rddreg [dreg:$0x1];
	p0 =	sne.s32 s2, $0x0  }
0x111: {  	s3 =	rddreg [dreg:$0x2];
	[bflag:$0x3] =	sbarrier.arrive $0xFFFF;
	s2 =	simm.s32 @!p0 $0x1C01  }
0x112: {  	[timem:s3], [sflag:s2] =	dma.local @!p0 [hbm:s0], s1  }
0x113: {  	s0 =	simm.s32 @!p0 $0x1  }
0x114: {  	_ =	swait.ge @!p0 [sflag:s0], s1  }
0x115: {  	s1 =	ssub.s32 @!p0 $0x0, s1;
	[sflag:s0] =	ssyncset.done @!p0 $0x0  }
0x116: {  	[sflag:s0] =	ssyncadd.s32 @!p0 s1  }
0x117: {  	[bflag:$0x3] =	sbarrier.arrive $0xFFFF  }
0x118: {  	_ =	shalt  }

// kernel: kernel.9.cloned.1.call-start
scs
__scs_entry_jumppad:
0x0: {  	(pc) =	sbr.rel $0x88, $3  }
0x1: {  	(tag) =	ssettag $0x0;
	lr =	simm.s32 $0x1  }
0x2: {  	[smem:$0x3F9D] =	sst lr;
	_ =	strace $0xD0000000  }
0x3: {  	_ = 	snop  }
0x4: {  	_ = 	snop  }
0x5: {  	_ = 	snop  }
0x6: {  	_ = 	snop  }
0x7: {  	_ = 	snop  }
__scs_overlays_trampoline_lowered:
0x8: {  	[smem:$0x3FAC] =	sst s0  }
0x9: {  	[smem:$0x3FAD] =	sst s1  }
0xa: {  	[smem:$0x3FAE] =	sst s2  }
0xb: {  	[smem:$0x3FAF] =	sst s3  }
0xc: {  	[smem:$0x3FB0] =	sst s4  }
0xd: {  	[smem:$0x3FB1] =	sst s5  }
0xe: {  	[smem:$0x3FB2] =	sst s6  }
0xf: {  	[smem:$0x3FB3] =	sst s7  }
0x10: {  	[smem:$0x3FB4] =	sst s8  }
0x11: {  	[smem:$0x3FB5] =	sst s9;
	s0 =	simm.s32 @!p0 $0x0  }
0x12: {  	s1 =	sld [smem:$0x3F9B];
	s0 =	simm.s32 @p0 $0x1  }
0x13: {  	[smem:$0x3FB6] =	sst s0;
	s0 =	simm.s32 @!p1 $0x0  }
0x14: {  	s2 =	sld [smem:$0x3F9A];
	s0 =	simm.s32 @p1 $0x1  }
0x15: {  	[smem:$0x3FB7] =	sst s0;
	s0 =	simm.s32 @!p2 $0x0  }
0x16: {  	s3 =	sld [smem:$0x3FDB];
	s0 =	simm.s32 @p2 $0x1  }
0x17: {  	s4 =	simm.s32 $0x1BF5;
	[smem:$0x3FB9] =	sst s0  }
0x18: {  	s0 =	sld [smem:$0x3F9C];
	_ =	swait.ge [sflag:s4], $0x0  }
0x19: {  	s7 =	sld [smem:$0x3F9D]  }
0x1a: {  	s8 =	sadd.s32 $0xFFFFE003, lr  }
0x1b: {  	s9 =	sadd.s32 $0xFFFFFEF7, lr;
	s5 =	simm.s32 $0xFFFFFFFF;
	p2 =	slt.u32 s8, $0xFFFFF086  }
0x1c: {  	p1 =	slt.u32 s9, $0xF7A;
	s5 =	simm.s32 @!p2 $0x0  }
0x1d: {  	s5 =	simm.s32 @p1 $0x1;
	p0 =	seq.s32 s7, s2  }
0x1e: {  	s7 =	smul.u32 @!p0 $0xF7A, s2;
	p2 =	seq.s32 @!p0 s5, $0x0  }
0x1f: {  	s9 =	smul.u32 $0xF7A, s1;
	s8 =	simm.s32 @!p0 $0x1BF5;
	p2 =	por !p2, p0  }
0x20: {  	[sflag:s8] =	ssyncset.s32 @!p0 $0xFFFFF086;
	s6 =	sadd.s32 @!p0 s3, s7;
	s7 =	simm.s32 @!p0 $0x108  }
0x21: {  	s3 =	sadd.s32 s3, s9;
	s6 =	sadd.s32 @!p0 $0x88, s6;
	s7 =	simm.s32 @p2 $0x1082  }
0x22: {  	[simem:s7], [sflag:s8] =	dma.local @!p0 [hbm:s6], $0xF7A  }
0x23: {  	s9 =	sor.u32 $0xD0000000, s2;
	s6 =	simm.s32 $0x108;
	_ =	swait.ge @!p0 [sflag:s8], $0x0  }
0x24: {  	s3 =	sadd.s32 $0x88, s3;
	s6 =	simm.s32 @!p1 $0x1082;
	[sflag:s4] =	ssyncset.s32 $0xFFFFF086  }
0x25: {  	[simem:s6], [sflag:s4] =	dma.local [hbm:s3], $0xF7A  }
0x26: {  	[smem:$0x3F9D] =	sst s1;
	(tag) =	ssettag s2;
	_ =	strace s9  }
0x27: {  	s1 =	sld [smem:$0x3FAD]  }
0x28: {  	s2 =	sld [smem:$0x3FAE]  }
0x29: {  	s4 =	sld [smem:$0x3FB0]  }
0x2a: {  	p0 =	seq.s32 s5, $0x0;
	s5 =	sld [smem:$0x3FB1]  }
0x2b: {  	s6 =	sld [smem:$0x3FB2]  }
0x2c: {  	s7 =	sld [smem:$0x3FB3]  }
0x2d: {  	s3 =	simm.s32 $0x108;
	s8 =	sld [smem:$0x3FB4]  }
0x2e: {  	s3 =	simm.s32 @!p0 $0x1082;
	s9 =	sld [smem:$0x3FB5]  }
0x2f: {  	lr =	sadd.s32 s0, s3;
	s0 =	sld [smem:$0x3FAC]  }
0x30: {  	s3 =	sld [smem:$0x3FAF]  }
0x31: {  	[smem:$0x3FB8] =	sst s10  }
0x32: {  	s10 =	sld [smem:$0x3FB6];
	_ =	sdelay $0x3  }
0x33: {  	p0 =	seq.s32 s10, $0x1;
	s10 =	sld [smem:$0x3FB8];
	_ =	sdelay $0x3  }
0x34: {  	[smem:$0x3FB8] =	sst s10  }
0x35: {  	s10 =	sld [smem:$0x3FB7];
	_ =	sdelay $0x3  }
0x36: {  	p1 =	seq.s32 s10, $0x1;
	s10 =	sld [smem:$0x3FB8];
	_ =	sdelay $0x3  }
0x37: {  	[smem:$0x3FB8] =	sst s10  }
0x38: {  	s10 =	sld [smem:$0x3FB9]  }
0x39: {  	_ = 	snop;
	(pc) =	sbr.ind lr, $3  }
0x3a: {  	_ = 	snop  }
0x3b: {  	_ = 	snop  }
0x3c: {  	p2 =	seq.s32 s10, $0x1;
	s10 =	sld [smem:$0x3FB8]  }
0x3d: {  	_ =	shalt  }
0x3e: {  	_ =	shalt  }
0x3f: {  	_ =	shalt  }
0x40: {  	_ =	shalt  }
0x41: {  	_ =	shalt  }
0x42: {  	_ =	shalt  }
0x43: {  	_ =	shalt  }
0x44: {  	_ =	shalt  }
0x45: {  	_ =	shalt  }
0x46: {  	_ =	shalt  }
0x47: {  	_ =	shalt  }
0x48: {  	_ =	shalt  }
0x49: {  	_ =	shalt  }
0x4a: {  	_ =	shalt  }
0x4b: {  	_ =	shalt  }
0x4c: {  	_ =	shalt  }
0x4d: {  	_ =	shalt  }
0x4e: {  	_ =	shalt  }
0x4f: {  	_ =	shalt  }
0x50: {  	_ =	shalt  }
0x51: {  	_ =	shalt  }
0x52: {  	_ =	shalt  }
0x53: {  	_ =	shalt  }
0x54: {  	_ =	shalt  }
0x55: {  	_ =	shalt  }
0x56: {  	_ =	shalt  }
0x57: {  	_ =	shalt  }
0x58: {  	_ =	shalt  }
0x59: {  	_ =	shalt  }
0x5a: {  	_ =	shalt  }
0x5b: {  	_ =	shalt  }
0x5c: {  	_ =	shalt  }
0x5d: {  	_ =	shalt  }
0x5e: {  	_ =	shalt  }
0x5f: {  	_ =	shalt  }
0x60: {  	_ =	shalt  }
0x61: {  	_ =	shalt  }
0x62: {  	_ =	shalt  }
0x63: {  	_ =	shalt  }
0x64: {  	_ =	shalt  }
0x65: {  	_ =	shalt  }
0x66: {  	_ =	shalt  }
0x67: {  	_ =	shalt  }
0x68: {  	_ =	shalt  }
0x69: {  	_ =	shalt  }
0x6a: {  	_ =	shalt  }
0x6b: {  	_ =	shalt  }
0x6c: {  	_ =	shalt  }
0x6d: {  	_ =	shalt  }
0x6e: {  	_ =	shalt  }
0x6f: {  	_ =	shalt  }
0x70: {  	_ =	shalt  }
0x71: {  	_ =	shalt  }
0x72: {  	_ =	shalt  }
0x73: {  	_ =	shalt  }
0x74: {  	_ =	shalt  }
0x75: {  	_ =	shalt  }
0x76: {  	_ =	shalt  }
0x77: {  	_ =	shalt  }
0x78: {  	_ =	shalt  }
0x79: {  	_ =	shalt  }
0x7a: {  	_ =	shalt  }
0x7b: {  	_ =	shalt  }
0x7c: {  	_ =	shalt  }
0x7d: {  	_ =	shalt  }
0x7e: {  	_ =	shalt  }
0x7f: {  	_ =	shalt  }
0x80: {  	_ =	shalt  }
0x81: {  	_ =	shalt  }
0x82: {  	_ =	shalt  }
0x83: {  	_ =	shalt  }
0x84: {  	_ =	shalt  }
0x85: {  	_ =	shalt  }
0x86: {  	_ =	shalt  }
0x87: {  	_ =	shalt  }
.Lfunc_end0:
.L_simem_size_0:
called_computation.1_lowered:
.L_overlay_start_0:
0x88: {  	s2 =	sld [smem:$0x3FD9]  }
0x89: {  	s3 =	sld [smem:$0x3FFE];
	_ =	sdelay $0x1  }
0x8a: {  	s1 =	srdreg.scid  }
0x8b: {  	s0 =	sand.u32 $0x1, s1  }
0x8c: {  	s17 =	sshll.u32 s0, $0xA;
	s2 =	sadd.s32 s3, s2  }
0x8d: {  	s2 =	sadd.s32 s2, s17  }
0x8e: {  	[smem:$0x3FC4] =	sst s2  }
0x8f: {  	_ = 	snop  }
0x90: {  	s2 =	sld [smem:$0x3FD0];
	(tm) =	ssettm $0x1  }
0x91: {  	s18 =	sld [smem:$0x3FFB];
	_ =	sdelay $0x3  }
0x92: {  	_ =	strace s18  }
0x93: {  	s3 =	sld [smem:$0x3FFC];
	_ =	sdelay $0x3  }
0x94: {  	_ =	strace s3  }
0x95: {  	s3 =	sld [smem:$0x3FFD];
	_ =	sdelay $0x3  }
0x96: {  	_ =	strace s3  }
0x97: {  	_ =	strace $0x8FFFFFFF  }
0x98: {  	s19 =	sld [smem:$0x3FDB];
	_ =	sdelay $0x1  }
0x99: {  	s4 =	simm.s32 $_scs_section_size  }
0x9a: {  	s5 =	simm.s32 $_size__tile_overlayer_lowered;
	s6 =	simm.s32 $_tile_overlayer_lowered  }
0x9b: {  	s22 =	simm.s32 $0x1BFF;
	s21 =	sshll.u32 s6, $0x1;
	s3 =	sadd.s32 s4, s19  }
0x9c: {  	s7 =	simm.s32 $0x0;
	s20 =	sshll.u32 s5, $0x1;
	s5 =	sadd.s32 s21, s3  }
0x9d: {  	[timem:s7], [sflag:s22] =	dma.local [hbm:s5], s20  }
0x9e: {  	_ =	swait.ge [sflag:s22], s20  }
0x9f: {  	s4 =	ssub.s32 $0x0, s20;
	[sflag:s22] =	ssyncset.done $0x0  }
0xa0: {  	[sflag:s22] =	ssyncadd.s32 s4;
	_ =	sdelay $0x1  }
0xa1: {  	s23 =	simm.s32 $0x1B8B  }
0xa2: {  	_ =	swait.ge [sflag:s23], $0x1  }
0xa3: {  	[sflag:s23] =	ssyncset.done $0x0  }
0xa4: {  	s25 =	simm.s32 $0x1B8E;
	s24 =	sld [smem:$0x3FFE];
	[sflag:s23] =	ssyncadd.s32 $0xFFFFFFFF  }
0xa5: {  	s26 =	simm.s32 $execute0_lowered;
	[smem:$0x3FD2] =	sst s25  }
0xa6: {  	s5 =	sshll.u32 s26, $0x1;
	_ =	strace $0x80000049;
	[dreg:$0x1] =	wrdreg $0xFFFFFFFF  }
0xa7: {  	s28 =	simm.s32 $_size_execute0_lowered;
	s3 =	sadd.s32 s3, s5;
	[dreg:$0x0] =	wrdreg $0x0  }
0xa8: {  	s5 =	sshll.u32 s28, $0x1;
	[dreg:$0x2] =	wrdreg s3  }
0xa9: {  	[dreg:$0x3] =	wrdreg s5  }
0xaa: {  	[dreg:$0x4] =	wrdreg $0xC0  }
0xab: {  	_ =	task [dreg:s7], $0x5FFFF  }
0xac: {  	[dreg:$0x1] =	wrdreg $0xFFFFFFFF  }
0xad: {  	[dreg:$0x0] =	wrdreg $0x60  }
0xae: {  	[dreg:$0x2] =	wrdreg s24  }
0xaf: {  	[dreg:$0x3] =	wrdreg s2  }
0xb0: {  	[dreg:$0x4] =	wrdreg $0x9  }
0xb1: {  	_ =	task.clear_ibuf [dreg:s7], $0x5FFFF;
	_ =	strace $0x90000049  }
0xb2: {  	s29 =	simm.s32 $0x9;
	_ =	strace $0x8000004B  }
0xb3: {  	_ =	swait.ge [sflag:s29], $0x1  }
0xb4: {  	[sflag:s29] =	ssyncadd.s32 $0xFFFFFFFF  }
0xb5: {  	_ =	strace $0x9000004B  }
0xb6: {  	_ =	sfence  }
0xb7: {  	s30 =	sld [smem:$0x0];
	_ =	sdelay $0x2  }
0xb8: {  	s31 =	sshll.u32 s1, $0xD;
	s1 =	sshrl.u32 s1, $0x2  }
0xb9: {  	s3 =	sand.u32 $0x4000, s31;
	s1 =	sadd.s32 s1, s30  }
0xba: {  	s0 =	sor.u32 s3, s0;
	s1 =	sshll.u32 s1, $0x11  }
0xbb: {  	s0 =	sor.u32 s1, s0  }
0xbc: {  	s0 =	sadd.s32 $0x8F2B, s0  }
0xbd: {  	[sflag:s0] =	ssyncadd.remote.s32 $0x1  }
0xbe: {  	_ =	sfence.sel $0xFFFF  }
0xbf: {  	[dreg:$0x0] =	wrdreg $0xFFFFFFFF;
	(pc) =	sbr.abs _section_cstart, $3  }
0xc0: {  	[dreg:$0x1] =	wrdreg $0xFFFFFFFF  }
0xc1: {  	_ =	task.clear_ibuf [dreg:s7], $0x2FFFF;
	_ =	strace $0x9FFFFFFF  }
0xc2: {  	(tm) =	ssettm $0x7FFFFFFF  }
0xc3: {  	_ =	shalt  }
tec
execute0_lowered:
.L_overlay_start_1:
0x0: {  	(tag) =	ssettag $0x1  }
0x1: {  	s5 =	rddreg [dreg:$0x0]  }
0x2: {  	s0 =	srdreg.scid;
	s4 =	rddreg [dreg:$0x1]  }
0x3: {  	s1 =	stileid.u32;
	s2 =	simm.s32 $0x0;
	s10 =	simm.s32 $0x19640  }
0x4: {  	s11 =	simm.s32 $0x1;
	s12 =	simm.s32 $0x9C40;
	s13 =	simm.s32 $0xEA60  }
0x5: {  	s14 =	simm.s32 $0x2;
	s3 =	sand.u32 $0x1, s0;
	s0 =	rddreg [dreg:$0x2]  }
0x6: {  	s15 =	simm.s32 $0x0;
	[smem:$0x7FF] =	sst s2;
	s6 =	sshll.u32 s3, $0x4  }
.Ltmp0:
0x7: {  	s7 =	ssub.s32 $0x2, s3;
	s6 =	sor.u32 s1, s6;
	(pc) =	sbr.rel .LBB2_1-.Ltmp0, $4  }
0x8: {  	_ =	strace $0x8000004A;
	s8 =	sshrl.u32 s7, $0x1;
	s6 =	smul.u32 $0x1388, s6  }
0x9: {  	s3 =	sadd.s32 $0x21600, s5;
	s7 =	ssub.s32 s7, s8;
	s8 =	simm.s32 $0x3  }
0xa: {  	s7 =	smax.u32 s7, $0x1;
	s9 =	sadd.s32 s6, s5;
	s4 =	sadd.s32 s4, s6  }
0xb: {  	v0 =	vimm.f32 $0.0e+00;
	s5 =	sadd.s32 $0x217F4, s5;
	s6 =	sadd.s32 $0x35000, s9;
	s9 =	simm.s32 $0x186A0  }
.LBB2_10:
0xc: {  	s15 =	sadd.s32 $0x1, s15  }
0xd: {  	p0 =	sne.s32 s15, s7  }
.Ltmp1:
0xe: {  	_ = 	snop;
	(pc) =	sbr.rel @!p0 .LBB2_11-.Ltmp1, $4  }
0xf: {  	[hbm4b:s6+s2] =	stream.linear.scatter [tilespmem:s13], [sflag:$0x3], $0x9C40, $0x38;
	[tilespmem:$0x1A5E0] =	vst v63  }
0x10: {  	_ =	swait.ge [sflag:s8], $0x9C40  }
0x11: {  	[sflag:s8] =	ssyncset.done $0x0  }
0x12: {  	[sflag:s8] =	ssyncadd.s32 $0xFFFF63C0  }
.LBB2_1:
0x13: {  	[tilespmem:s2], [sflag:$0x3] =	stream.linear.gather [hbm4b:s4+s2], $0x9C40, $0x38;
	[tilespmem:$0x1A5E0] =	vst v63  }
0x14: {  	_ =	swait.ge [sflag:s8], $0x9C40  }
0x15: {  	[sflag:s8] =	ssyncset.done $0x0  }
0x16: {  	s16 =	simm.s32 $0x0;
	[sflag:s8] =	ssyncadd.s32 $0xFFFF63C0  }
0x17: {  	v3 =	vld [tilespmem:s16+$0x4E20]  }
0x18: {  	v4 =	vld [tilespmem:s16+$0x7530]  }
0x19: {  	[tilespmem:s16+$0xEA60] =	vst v0;
	v5 =	vld [tilespmem:s16+$0x0]  }
0x1a: {  	[tilespmem:s16+$0x11170] =	vst v0;
	v6 =	vld [tilespmem:s16+$0x2710]  }
0x1b: {  	[tilespmem:s16+$0x13880] =	vst v0  }
0x1c: {  	s17 =	simm.s32 $0x10;
	[tilespmem:s16+$0x15F90] =	vst v0  }
0x1d: {  	[tilespmem:s17+$0xEA60] =	vst v0;
	v1 =	vld [tilespmem:s17+$0x4E20];
	v3 =	vadd.s32 $0x8000, v3;
	v4 =	vadd.s32 $0x8000, v4  }
0x1e: {  	[tilespmem:s17+$0x11170] =	vst v0;
	v2 =	vld [tilespmem:s17+$0x7530];
	v3 =	vshrl.u32 v3, $0x10;
	v7 =	vand.u32 $0xFFFF0000, v4  }
0x1f: {  	[tilespmem:s17+$0x13880] =	vst v0;
	v5 =	vadd.s32 $0x8000, v5;
	v6 =	vadd.s32 $0x8000, v6;
	v4 =	vld [tilespmem:s17+$0x0];
	v7 =	vor.u32 v3, v7  }
0x20: {  	v5 =	vshrl.u32 v5, $0x10;
	v6 =	vand.u32 $0xFFFF0000, v6;
	v3 =	vld [tilespmem:s17+$0x2710];
	[tilespmem:s16+$0xC350] =	vst v7  }
0x21: {  	s18 =	simm.s32 $0x80;
	v5 =	vor.u32 v5, v6;
	[tilespmem:s17+$0x15F90] =	vst v0  }
.LBB2_2:
0x22: {  	[tilespmem:s16+$0x9C40] =	vst v5;
	s16 =	smov.u32 s17;
	s17 =	sshra.s32 s18, $0x2;
	p0 =	sne.s32 s18, $0x9C00  }
.Ltmp2:
0x23: {  	s18 =	sadd.s32 $0x40, s18;
	v5 =	vadd.s32 $0x8000, v1;
	[tilespmem:s17+$0xEA60] =	vst v0;
	v1 =	vld [tilespmem:s17+$0x4E20];
	v6 =	vadd.s32 $0x8000, v2;
	(pc) =	sbr.rel @p0 .LBB2_2-.Ltmp2, $4  }
0x24: {  	v5 =	vshrl.u32 v5, $0x10;
	[tilespmem:s17+$0x11170] =	vst v0;
	v2 =	vld [tilespmem:s17+$0x7530];
	v7 =	vadd.s32 $0x8000, v4;
	v6 =	vand.u32 $0xFFFF0000, v6  }
0x25: {  	[tilespmem:s17+$0x13880] =	vst v0;
	v4 =	vld [tilespmem:s17+$0x0];
	v7 =	vshrl.u32 v7, $0x10;
	v8 =	vadd.s32 $0x8000, v3;
	v5 =	vor.u32 v5, v6  }
0x26: {  	v3 =	vld [tilespmem:s17+$0x2710];
	v6 =	vand.u32 $0xFFFF0000, v8;
	[tilespmem:s16+$0xC350] =	vst v5  }
0x27: {  	[tilespmem:s17+$0x15F90] =	vst v0;
	v5 =	vor.u32 v7, v6  }
0x28: {  	_ = 	snop  }
0x29: {  	v1 =	vadd.s32 $0x8000, v1  }
0x2a: {  	v2 =	vadd.s32 $0x8000, v2;
	v1 =	vshrl.u32 v1, $0x10  }
0x2b: {  	v4 =	vadd.s32 $0x8000, v4;
	v2 =	vand.u32 $0xFFFF0000, v2;
	v3 =	vadd.s32 $0x8000, v3  }
0x2c: {  	[tilespmem:s16+$0x9C40] =	vst v5;
	v4 =	vshrl.u32 v4, $0x10;
	v1 =	vor.u32 v1, v2;
	v2 =	vand.u32 $0xFFFF0000, v3  }
0x2d: {  	[tilespmem:s17+$0xC350] =	vst v1;
	v1 =	vor.u32 v4, v2  }
0x2e: {  	s16 =	simm.s32 $0x0;
	[tilespmem:s17+$0x9C40] =	vst v1  }
0x2f: {  	[tilespmem:s9], [sflag:$0x1] =	stream.linear.gather [hbm4b:s3+s16], $0xFA0, $0x38;
	[tilespmem:$0x1A5E0] =	vst v63  }
0x30: {  	_ = 	snop  }
0x31: {  	[tilespmem:s10], [sflag:$0x2] =	stream.linear.gather [hbm4b:s5+s16], $0xFA0, $0x38;
	[tilespmem:$0x1A5E0] =	vst v63  }
.LBB2_4:
0x32: {  	_ =	swait.ge [sflag:s11], $0xFA0  }
0x33: {  	[sflag:s11] =	ssyncset.done $0x0  }
0x34: {  	s17 =	simm.s32 $0xFFFFFFFB;
	s18 =	simm.s32 $0x18EB0;
	[sflag:s11] =	ssyncadd.s32 $0xFFFFF060  }
.LBB2_5:
0x35: {  	v1 =	vld [tilespmem:s18+$0xFFFFF7F0];
	_ =	sdelay $0x4  }
0x36: {  	v2 =	vand.u32 $0x3FFF, v1;
	_ =	sdelay $0x4  }
0x37: {  	v3 =	vld.idx.msk [tilespmem:v2+s12+$0x0], $0xffff  }
0x38: {  	v4 =	vld [tilespmem:s18+$0xFFFFFFC0];
	_ =	sdelay $0x1  }
0x39: {  	v1 =	vshrl.u32 v1, $0xE  }
0x3a: {  	v5 =	vadd.s32 $0x2710, v1  }
0x3b: {  	v2 =	vadd.s32 $0x2710, v2;
	v6 =	vshll.u32 v3, $0x10  }
0x3c: {  	v3 =	vand.u32 $0xFFFF0000, v3;
	v6 =	vmul.f32 v6, v4  }
0x3d: {  	v3 =	vmul.f32 v3, v4  }
0x3e: {  	[tilespmem:v1+s13+$0x0] =	vst.idx.add.f32.msk $0xffff, v6  }
0x3f: {  	[tilespmem:v5+s13+$0x0] =	vst.idx.add.f32.msk $0xffff, v3  }
0x40: {  	v2 =	vld.idx.msk [tilespmem:v2+s12+$0x0], $0xffff;
	_ =	sdelay $0x2  }
0x41: {  	v3 =	vadd.s32 $0x4E20, v1  }
0x42: {  	v1 =	vadd.s32 $0x7530, v1  }
0x43: {  	v47 =	vshll.u32 v2, $0x10  }
0x44: {  	v2 =	vand.u32 $0xFFFF0000, v2;
	v5 =	vmul.f32 v47, v4  }
0x45: {  	v2 =	vmul.f32 v2, v4  }
0x46: {  	[tilespmem:v3+s13+$0x0] =	vst.idx.add.f32.msk $0xffff, v5  }
0x47: {  	[tilespmem:v1+s13+$0x0] =	vst.idx.add.f32.msk $0xffff, v2  }
0x48: {  	v1 =	vld [tilespmem:s18+$0xFFFFF800];
	_ =	sdelay $0x4  }
0x49: {  	v2 =	vand.u32 $0x3FFF, v1;
	_ =	sdelay $0x4  }
0x4a: {  	v3 =	vld.idx.msk [tilespmem:v2+s12+$0x0], $0xffff  }
0x4b: {  	v48 =	vld [tilespmem:s18+$0xFFFFFFD0];
	_ =	sdelay $0x1  }
0x4c: {  	v1 =	vshrl.u32 v1, $0xE  }
0x4d: {  	v49 =	vadd.s32 $0x2710, v1  }
0x4e: {  	v2 =	vadd.s32 $0x2710, v2;
	v50 =	vshll.u32 v3, $0x10  }
0x4f: {  	v3 =	vand.u32 $0xFFFF0000, v3;
	v6 =	vmul.f32 v50, v48  }
0x50: {  	v3 =	vmul.f32 v3, v48  }
0x51: {  	[tilespmem:v1+s13+$0x0] =	vst.idx.add.f32.msk $0xffff, v6  }
0x52: {  	[tilespmem:v49+s13+$0x0] =	vst.idx.add.f32.msk $0xffff, v3  }
0x53: {  	v2 =	vld.idx.msk [tilespmem:v2+s12+$0x0], $0xffff;
	_ =	sdelay $0x2  }
0x54: {  	v3 =	vadd.s32 $0x4E20, v1  }
0x55: {  	v1 =	vadd.s32 $0x7530, v1  }
0x56: {  	v51 =	vshll.u32 v2, $0x10  }
0x57: {  	v2 =	vand.u32 $0xFFFF0000, v2;
	v5 =	vmul.f32 v51, v48  }
0x58: {  	v2 =	vmul.f32 v2, v48  }
0x59: {  	[tilespmem:v3+s13+$0x0] =	vst.idx.add.f32.msk $0xffff, v5  }
0x5a: {  	[tilespmem:v1+s13+$0x0] =	vst.idx.add.f32.msk $0xffff, v2  }
0x5b: {  	v1 =	vld [tilespmem:s18+$0xFFFFF810];
	_ =	sdelay $0x4  }
0x5c: {  	v2 =	vand.u32 $0x3FFF, v1;
	_ =	sdelay $0x4  }
0x5d: {  	v3 =	vld.idx.msk [tilespmem:v2+s12+$0x0], $0xffff  }
0x5e: {  	v52 =	vld [tilespmem:s18+$0xFFFFFFE0];
	_ =	sdelay $0x1  }
0x5f: {  	v1 =	vshrl.u32 v1, $0xE  }
0x60: {  	v53 =	vadd.s32 $0x2710, v1  }
0x61: {  	v2 =	vadd.s32 $0x2710, v2;
	v54 =	vshll.u32 v3, $0x10  }
0x62: {  	v3 =	vand.u32 $0xFFFF0000, v3;
	v6 =	vmul.f32 v54, v52  }
0x63: {  	v3 =	vmul.f32 v3, v52  }
0x64: {  	[tilespmem:v1+s13+$0x0] =	vst.idx.add.f32.msk $0xffff, v6  }
0x65: {  	[tilespmem:v53+s13+$0x0] =	vst.idx.add.f32.msk $0xffff, v3  }
0x66: {  	v2 =	vld.idx.msk [tilespmem:v2+s12+$0x0], $0xffff;
	_ =	sdelay $0x2  }
0x67: {  	v3 =	vadd.s32 $0x4E20, v1  }
0x68: {  	v1 =	vadd.s32 $0x7530, v1  }
0x69: {  	v55 =	vshll.u32 v2, $0x10  }
0x6a: {  	v2 =	vand.u32 $0xFFFF0000, v2;
	v5 =	vmul.f32 v55, v52  }
0x6b: {  	v2 =	vmul.f32 v2, v52  }
0x6c: {  	[tilespmem:v3+s13+$0x0] =	vst.idx.add.f32.msk $0xffff, v5  }
0x6d: {  	[tilespmem:v1+s13+$0x0] =	vst.idx.add.f32.msk $0xffff, v2  }
0x6e: {  	v1 =	vld [tilespmem:s18+$0xFFFFF820];
	_ =	sdelay $0x4  }
0x6f: {  	v2 =	vand.u32 $0x3FFF, v1;
	_ =	sdelay $0x4  }
0x70: {  	v3 =	vld.idx.msk [tilespmem:v2+s12+$0x0], $0xffff  }
0x71: {  	v56 =	vld [tilespmem:s18+$0xFFFFFFF0];
	_ =	sdelay $0x1  }
0x72: {  	v1 =	vshrl.u32 v1, $0xE  }
0x73: {  	v57 =	vadd.s32 $0x2710, v1  }
0x74: {  	v2 =	vadd.s32 $0x2710, v2;
	v58 =	vshll.u32 v3, $0x10  }
0x75: {  	v3 =	vand.u32 $0xFFFF0000, v3;
	v6 =	vmul.f32 v58, v56  }
0x76: {  	v3 =	vmul.f32 v3, v56  }
0x77: {  	[tilespmem:v1+s13+$0x0] =	vst.idx.add.f32.msk $0xffff, v6  }
0x78: {  	[tilespmem:v57+s13+$0x0] =	vst.idx.add.f32.msk $0xffff, v3  }
0x79: {  	v2 =	vld.idx.msk [tilespmem:v2+s12+$0x0], $0xffff;
	_ =	sdelay $0x2  }
0x7a: {  	v3 =	vadd.s32 $0x4E20, v1  }
0x7b: {  	v1 =	vadd.s32 $0x7530, v1  }
0x7c: {  	v59 =	vshll.u32 v2, $0x10  }
0x7d: {  	v2 =	vand.u32 $0xFFFF0000, v2;
	v5 =	vmul.f32 v59, v56  }
0x7e: {  	v2 =	vmul.f32 v2, v56  }
0x7f: {  	[tilespmem:v3+s13+$0x0] =	vst.idx.add.f32.msk $0xffff, v5  }
0x80: {  	[tilespmem:v1+s13+$0x0] =	vst.idx.add.f32.msk $0xffff, v2  }
0x81: {  	v1 =	vld [tilespmem:s18+$0xFFFFF830];
	_ =	sdelay $0x4  }
0x82: {  	v2 =	vand.u32 $0x3FFF, v1;
	_ =	sdelay $0x4  }
0x83: {  	v3 =	vld.idx.msk [tilespmem:v2+s12+$0x0], $0xffff  }
0x84: {  	v60 =	vld [tilespmem:s18+$0x0];
	_ =	sdelay $0x1  }
0x85: {  	v1 =	vshrl.u32 v1, $0xE  }
0x86: {  	v61 =	vadd.s32 $0x2710, v1  }
0x87: {  	v2 =	vadd.s32 $0x2710, v2;
	v62 =	vshll.u32 v3, $0x10  }
0x88: {  	v3 =	vand.u32 $0xFFFF0000, v3;
	v6 =	vmul.f32 v62, v60  }
0x89: {  	v3 =	vmul.f32 v3, v60  }
0x8a: {  	[tilespmem:v1+s13+$0x0] =	vst.idx.add.f32.msk $0xffff, v6  }
0x8b: {  	[tilespmem:v61+s13+$0x0] =	vst.idx.add.f32.msk $0xffff, v3  }
0x8c: {  	v2 =	vld.idx.msk [tilespmem:v2+s12+$0x0], $0xffff;
	_ =	sdelay $0x2  }
0x8d: {  	s17 =	sadd.s32 $0x5, s17;
	v3 =	vadd.s32 $0x4E20, v1  }
0x8e: {  	p0 =	slt.u32 s17, $0x78;
	v1 =	vadd.s32 $0x7530, v1  }
.Ltmp3:
0x8f: {  	v63 =	vshll.u32 v2, $0x10;
	(pc) =	sbr.rel @p0 .LBB2_5-.Ltmp3, $4  }
0x90: {  	v2 =	vand.u32 $0xFFFF0000, v2;
	v5 =	vmul.f32 v63, v60  }
0x91: {  	v2 =	vmul.f32 v2, v60  }
0x92: {  	[tilespmem:v3+s13+$0x0] =	vst.idx.add.f32.msk $0xffff, v5  }
0x93: {  	s18 =	sadd.s32 $0x50, s18;
	[tilespmem:v1+s13+$0x0] =	vst.idx.add.f32.msk $0xffff, v2  }
0x94: {  	p0 =	seq.s32 s16, $0x4F  }
0x95: {  	s17 =	smul.u32 @!p0 $0x1F40, s16;
	_ =	sdelay $0x1  }
0x96: {  	s17 =	sshrl.u32 @!p0 s17, $0x3  }
0x97: {  	s17 =	sadd.s32 @!p0 s3, s17  }
0x98: {  	s18 =	simm.s32 @!p0 $0x0;
	s19 =	simm.s32 @!p0 $0x186A0;
	s17 =	sadd.s32 @!p0 $0x3E8, s17  }
0x99: {  	[tilespmem:s19], [sflag:$0x1] =	stream.linear.gather @!p0 [hbm4b:s17+s18], $0xFA0, $0x38;
	[tilespmem:$0x1A5E0] =	vst v63  }
0x9a: {  	_ =	swait.ge [sflag:s14], $0xFA0  }
0x9b: {  	[sflag:s14] =	ssyncset.done $0x0  }
0x9c: {  	s17 =	simm.s32 $0xFFFFFFFB;
	s18 =	simm.s32 $0x19E50;
	[sflag:s14] =	ssyncadd.s32 $0xFFFFF060  }
.LBB2_7:
0x9d: {  	v1 =	vld [tilespmem:s18+$0xFFFFF7F0];
	_ =	sdelay $0x4  }
0x9e: {  	v2 =	vand.u32 $0x3FFF, v1;
	_ =	sdelay $0x4  }
0x9f: {  	v3 =	vld.idx.msk [tilespmem:v2+s12+$0x0], $0xffff  }
0xa0: {  	v4 =	vld [tilespmem:s18+$0xFFFFFFC0];
	_ =	sdelay $0x1  }
0xa1: {  	v1 =	vshrl.u32 v1, $0xE  }
0xa2: {  	v5 =	vadd.s32 $0x2710, v1  }
0xa3: {  	v2 =	vadd.s32 $0x2710, v2;
	v6 =	vshll.u32 v3, $0x10  }
0xa4: {  	v3 =	vand.u32 $0xFFFF0000, v3;
	v6 =	vmul.f32 v6, v4  }
0xa5: {  	v3 =	vmul.f32 v3, v4  }
0xa6: {  	[tilespmem:v1+s13+$0x0] =	vst.idx.add.f32.msk $0xffff, v6  }
0xa7: {  	[tilespmem:v5+s13+$0x0] =	vst.idx.add.f32.msk $0xffff, v3  }
0xa8: {  	v2 =	vld.idx.msk [tilespmem:v2+s12+$0x0], $0xffff;
	_ =	sdelay $0x2  }
0xa9: {  	v3 =	vadd.s32 $0x4E20, v1  }
0xaa: {  	v1 =	vadd.s32 $0x7530, v1  }
0xab: {  	v47 =	vshll.u32 v2, $0x10  }
0xac: {  	v2 =	vand.u32 $0xFFFF0000, v2;
	v5 =	vmul.f32 v47, v4  }
0xad: {  	v2 =	vmul.f32 v2, v4  }
0xae: {  	[tilespmem:v3+s13+$0x0] =	vst.idx.add.f32.msk $0xffff, v5  }
0xaf: {  	[tilespmem:v1+s13+$0x0] =	vst.idx.add.f32.msk $0xffff, v2  }
0xb0: {  	v1 =	vld [tilespmem:s18+$0xFFFFF800];
	_ =	sdelay $0x4  }
0xb1: {  	v2 =	vand.u32 $0x3FFF, v1;
	_ =	sdelay $0x4  }
0xb2: {  	v3 =	vld.idx.msk [tilespmem:v2+s12+$0x0], $0xffff  }
0xb3: {  	v48 =	vld [tilespmem:s18+$0xFFFFFFD0];
	_ =	sdelay $0x1  }
0xb4: {  	v1 =	vshrl.u32 v1, $0xE  }
0xb5: {  	v49 =	vadd.s32 $0x2710, v1  }
0xb6: {  	v2 =	vadd.s32 $0x2710, v2;
	v50 =	vshll.u32 v3, $0x10  }
0xb7: {  	v3 =	vand.u32 $0xFFFF0000, v3;
	v6 =	vmul.f32 v50, v48  }
0xb8: {  	v3 =	vmul.f32 v3, v48  }
0xb9: {  	[tilespmem:v1+s13+$0x0] =	vst.idx.add.f32.msk $0xffff, v6  }
0xba: {  	[tilespmem:v49+s13+$0x0] =	vst.idx.add.f32.msk $0xffff, v3  }
0xbb: {  	v2 =	vld.idx.msk [tilespmem:v2+s12+$0x0], $0xffff;
	_ =	sdelay $0x2  }
0xbc: {  	v3 =	vadd.s32 $0x4E20, v1  }
0xbd: {  	v1 =	vadd.s32 $0x7530, v1  }
0xbe: {  	v51 =	vshll.u32 v2, $0x10  }
0xbf: {  	v2 =	vand.u32 $0xFFFF0000, v2;
	v5 =	vmul.f32 v51, v48  }
0xc0: {  	v2 =	vmul.f32 v2, v48  }
0xc1: {  	[tilespmem:v3+s13+$0x0] =	vst.idx.add.f32.msk $0xffff, v5  }
0xc2: {  	[tilespmem:v1+s13+$0x0] =	vst.idx.add.f32.msk $0xffff, v2  }
0xc3: {  	v1 =	vld [tilespmem:s18+$0xFFFFF810];
	_ =	sdelay $0x4  }
0xc4: {  	v2 =	vand.u32 $0x3FFF, v1;
	_ =	sdelay $0x4  }
0xc5: {  	v3 =	vld.idx.msk [tilespmem:v2+s12+$0x0], $0xffff  }
0xc6: {  	v52 =	vld [tilespmem:s18+$0xFFFFFFE0];
	_ =	sdelay $0x1  }
0xc7: {  	v1 =	vshrl.u32 v1, $0xE  }
0xc8: {  	v53 =	vadd.s32 $0x2710, v1  }
0xc9: {  	v2 =	vadd.s32 $0x2710, v2;
	v54 =	vshll.u32 v3, $0x10  }
0xca: {  	v3 =	vand.u32 $0xFFFF0000, v3;
	v6 =	vmul.f32 v54, v52  }
0xcb: {  	v3 =	vmul.f32 v3, v52  }
0xcc: {  	[tilespmem:v1+s13+$0x0] =	vst.idx.add.f32.msk $0xffff, v6  }
0xcd: {  	[tilespmem:v53+s13+$0x0] =	vst.idx.add.f32.msk $0xffff, v3  }
0xce: {  	v2 =	vld.idx.msk [tilespmem:v2+s12+$0x0], $0xffff;
	_ =	sdelay $0x2  }
0xcf: {  	v3 =	vadd.s32 $0x4E20, v1  }
0xd0: {  	v1 =	vadd.s32 $0x7530, v1  }
0xd1: {  	v55 =	vshll.u32 v2, $0x10  }
0xd2: {  	v2 =	vand.u32 $0xFFFF0000, v2;
	v5 =	vmul.f32 v55, v52  }
0xd3: {  	v2 =	vmul.f32 v2, v52  }
0xd4: {  	[tilespmem:v3+s13+$0x0] =	vst.idx.add.f32.msk $0xffff, v5  }
0xd5: {  	[tilespmem:v1+s13+$0x0] =	vst.idx.add.f32.msk $0xffff, v2  }
0xd6: {  	v1 =	vld [tilespmem:s18+$0xFFFFF820];
	_ =	sdelay $0x4  }
0xd7: {  	v2 =	vand.u32 $0x3FFF, v1;
	_ =	sdelay $0x4  }
0xd8: {  	v3 =	vld.idx.msk [tilespmem:v2+s12+$0x0], $0xffff  }
0xd9: {  	v56 =	vld [tilespmem:s18+$0xFFFFFFF0];
	_ =	sdelay $0x1  }
0xda: {  	v1 =	vshrl.u32 v1, $0xE  }
0xdb: {  	v57 =	vadd.s32 $0x2710, v1  }
0xdc: {  	v2 =	vadd.s32 $0x2710, v2;
	v58 =	vshll.u32 v3, $0x10  }
0xdd: {  	v3 =	vand.u32 $0xFFFF0000, v3;
	v6 =	vmul.f32 v58, v56  }
0xde: {  	v3 =	vmul.f32 v3, v56  }
0xdf: {  	[tilespmem:v1+s13+$0x0] =	vst.idx.add.f32.msk $0xffff, v6  }
0xe0: {  	[tilespmem:v57+s13+$0x0] =	vst.idx.add.f32.msk $0xffff, v3  }
0xe1: {  	v2 =	vld.idx.msk [tilespmem:v2+s12+$0x0], $0xffff;
	_ =	sdelay $0x2  }
0xe2: {  	v3 =	vadd.s32 $0x4E20, v1  }
0xe3: {  	v1 =	vadd.s32 $0x7530, v1  }
0xe4: {  	v59 =	vshll.u32 v2, $0x10  }
0xe5: {  	v2 =	vand.u32 $0xFFFF0000, v2;
	v5 =	vmul.f32 v59, v56  }
0xe6: {  	v2 =	vmul.f32 v2, v56  }
0xe7: {  	[tilespmem:v3+s13+$0x0] =	vst.idx.add.f32.msk $0xffff, v5  }
0xe8: {  	[tilespmem:v1+s13+$0x0] =	vst.idx.add.f32.msk $0xffff, v2  }
0xe9: {  	v1 =	vld [tilespmem:s18+$0xFFFFF830];
	_ =	sdelay $0x4  }
0xea: {  	v2 =	vand.u32 $0x3FFF, v1;
	_ =	sdelay $0x4  }
0xeb: {  	v3 =	vld.idx.msk [tilespmem:v2+s12+$0x0], $0xffff  }
0xec: {  	v60 =	vld [tilespmem:s18+$0x0];
	_ =	sdelay $0x1  }
0xed: {  	v1 =	vshrl.u32 v1, $0xE  }
0xee: {  	v61 =	vadd.s32 $0x2710, v1  }
0xef: {  	v2 =	vadd.s32 $0x2710, v2;
	v62 =	vshll.u32 v3, $0x10  }
0xf0: {  	v3 =	vand.u32 $0xFFFF0000, v3;
	v6 =	vmul.f32 v62, v60  }
0xf1: {  	v3 =	vmul.f32 v3, v60  }
0xf2: {  	[tilespmem:v1+s13+$0x0] =	vst.idx.add.f32.msk $0xffff, v6  }
0xf3: {  	[tilespmem:v61+s13+$0x0] =	vst.idx.add.f32.msk $0xffff, v3  }
0xf4: {  	v2 =	vld.idx.msk [tilespmem:v2+s12+$0x0], $0xffff;
	_ =	sdelay $0x2  }
0xf5: {  	s17 =	sadd.s32 $0x5, s17;
	v3 =	vadd.s32 $0x4E20, v1  }
0xf6: {  	p1 =	slt.u32 s17, $0x78;
	v1 =	vadd.s32 $0x7530, v1  }
.Ltmp4:
0xf7: {  	v63 =	vshll.u32 v2, $0x10;
	(pc) =	sbr.rel @p1 .LBB2_7-.Ltmp4, $4  }
0xf8: {  	v2 =	vand.u32 $0xFFFF0000, v2;
	v5 =	vmul.f32 v63, v60  }
0xf9: {  	v2 =	vmul.f32 v2, v60  }
0xfa: {  	[tilespmem:v3+s13+$0x0] =	vst.idx.add.f32.msk $0xffff, v5  }
0xfb: {  	s18 =	sadd.s32 $0x50, s18;
	[tilespmem:v1+s13+$0x0] =	vst.idx.add.f32.msk $0xffff, v2  }
.Ltmp5:
0xfc: {  	(pc) =	sbr.rel @p0 .LBB2_10-.Ltmp5, $1  }
0xfd: {  	_ =	sdelay $0x3  }
0xfe: {  	s17 =	smul.u32 $0x1F40, s16  }
.Ltmp6:
0xff: {  	_ = 	snop;
	(pc) =	sbr.rel .LBB2_4-.Ltmp6, $4  }
0x100: {  	s17 =	sshrl.u32 s17, $0x3  }
0x101: {  	s17 =	sadd.s32 s3, s17  }
0x102: {  	s16 =	sadd.s32 $0x1, s16;
	s17 =	sadd.s32 $0x5DC, s17  }
0x103: {  	[tilespmem:s10], [sflag:$0x2] =	stream.linear.gather [hbm4b:s17+s2], $0xFA0, $0x38;
	[tilespmem:$0x1A5E0] =	vst v63  }
.LBB2_11:
0x104: {  	_ =	sfence.sel $0x180000  }
0x105: {  	[bflag:$0x0] =	sbarrier.arrive $0xFFFF  }
0x106: {  	p0 =	sne.s32 s1, $0x0;
	_ =	strace $0x9000004A  }
0x107: {  	s0 =	sadd.s32 @!p0 $0x100000, s0;
	[bflag:$0x2] =	sbarrier.arrive $0xFFFF  }
0x108: {  	[sflag:s0] =	ssyncadd.tile.s32 @!p0 $0x1;
	_ =	shalt  }
.Lfunc_end2:
_tile_overlayer_lowered:
.L_overlay_start_2:
0x109: {  	(tag) =	ssettag $0x2  }
0x10a: {  	s0 =	rddreg [dreg:$0x0];
	s2 =	stileid.u32  }
0x10b: {  	s1 =	rddreg [dreg:$0x1];
	p0 =	sne.s32 s2, $0x0  }
0x10c: {  	s3 =	rddreg [dreg:$0x2];
	[bflag:$0x3] =	sbarrier.arrive $0xFFFF;
	s2 =	simm.s32 @!p0 $0x1C03  }
0x10d: {  	[timem:s3], [sflag:s2] =	dma.local @!p0 [hbm:s0], s1  }
0x10e: {  	s0 =	simm.s32 @!p0 $0x3  }
0x10f: {  	_ =	swait.ge @!p0 [sflag:s0], s1  }
0x110: {  	s1 =	ssub.s32 @!p0 $0x0, s1;
	[sflag:s0] =	ssyncset.done @!p0 $0x0  }
0x111: {  	[sflag:s0] =	ssyncadd.s32 @!p0 s1  }
0x112: {  	[bflag:$0x3] =	sbarrier.arrive $0xFFFF  }
0x113: {  	_ =	shalt  }

</sc_bundles>
